<compile_context>
chip_gen: v7x
topology: tpu7x:2x2x1
jax: 0.10.2.dev20260603
libtpu: 0.0.44.dev20260713+nightly
codegen_flags: <defaults>
</compile_context>

<pallas_src>
import jax
import jax.numpy as jnp
from jax.experimental import pallas as pl

_N = 20000
_B = 1024
_NB = 20
_NP = _B * _NB
_IOU_T = 0.5


def _pair_iou(cx1, cy1, cx2, cy2, ca, rx1, ry1, rx2, ry2, ra):
    xx1 = jnp.maximum(cx1, rx1)
    yy1 = jnp.maximum(cy1, ry1)
    xx2 = jnp.minimum(cx2, rx2)
    yy2 = jnp.minimum(cy2, ry2)
    inter = jnp.maximum(xx2 - xx1, 0.0) * jnp.maximum(yy2 - yy1, 0.0)
    return inter / (ca + ra - inter + 1e-9)


def _nms_kernel(x1_ref, y1_ref, x2_ref, y2_ref, keep_ref):
    row_i = jax.lax.broadcasted_iota(jnp.int32, (_B, _B), 0)
    col_i = jax.lax.broadcasted_iota(jnp.int32, (_B, _B), 1)
    eyef = (row_i == col_i).astype(jnp.float32)
    ltf = (col_i < row_i).astype(jnp.float32)
    utf = (row_i < col_i).astype(jnp.float32)

    def to_col(row):
        return jnp.sum(eyef * row, axis=1, keepdims=True)

    def to_row(col):
        return jnp.sum(eyef * col, axis=0, keepdims=True)

    def outer(j, carry):
        x1r = x1_ref[j]
        y1r = y1_ref[j]
        x2r = x2_ref[j]
        y2r = y2_ref[j]
        cx1 = to_col(x1r)
        cy1 = to_col(y1r)
        cx2 = to_col(x2r)
        cy2 = to_col(y2r)
        ca = (cx2 - cx1) * (cy2 - cy1)

        def inner(i, supp):
            dead = keep_ref[i] < 0.5
            kx1 = jnp.where(dead, 1e9, x1_ref[i])
            ky1 = jnp.where(dead, 1e9, y1_ref[i])
            kx2 = jnp.where(dead, 1e9, x2_ref[i])
            ky2 = jnp.where(dead, 1e9, y2_ref[i])
            ka = (kx2 - kx1) * (ky2 - ky1)
            iou = _pair_iou(cx1, cy1, cx2, cy2, ca, kx1, ky1, kx2, ky2, ka)
            return jnp.maximum(supp, jnp.max(iou, axis=1, keepdims=True))

        supp = jax.lax.fori_loop(0, j, inner, jnp.zeros((_B, 1), jnp.float32))
        p_col = jnp.where(supp > _IOU_T, 0.0, 1.0)
        p_row = to_row(p_col)

        ra = (x2r - x1r) * (y2r - y1r)
        iou_s = _pair_iou(cx1, cy1, cx2, cy2, ca, x1r, y1r, x2r, y2r, ra)
        sgt = jnp.where(iou_s > _IOU_T, 1.0, 0.0)
        mat_a = sgt * ltf
        mat_b = sgt * utf

        def cond(carry):
            return carry[1]

        def body(carry):
            krow, _ = carry
            s1 = jnp.max(mat_a * krow, axis=1, keepdims=True)
            kcol = p_col * (1.0 - s1)
            s2 = jnp.max(mat_b * kcol, axis=0, keepdims=True)
            newrow = p_row * (1.0 - s2)
            changed = jnp.sum(jnp.abs(newrow - krow)) > 0.0
            return (newrow, changed)

        krow, _ = jax.lax.while_loop(cond, body, (p_row, jnp.bool_(True)))
        keep_ref[j] = krow
        return carry

    jax.lax.fori_loop(0, _NB, outer, 0)


def kernel(boxes, scores, labels):
    order = jnp.argsort(-scores)
    boxes_s = boxes[order]
    scores_s = scores[order]
    labels_s = labels[order]

    pad = _NP - _N
    x1 = jnp.pad(boxes_s[:, 0], (0, pad)).reshape(_NB, 1, _B)
    y1 = jnp.pad(boxes_s[:, 1], (0, pad)).reshape(_NB, 1, _B)
    x2 = jnp.pad(boxes_s[:, 2], (0, pad)).reshape(_NB, 1, _B)
    y2 = jnp.pad(boxes_s[:, 3], (0, pad)).reshape(_NB, 1, _B)

    keepf = pl.pallas_call(
        _nms_kernel,
        out_shape=jax.ShapeDtypeStruct((_NB, 1, _B), jnp.float32),
    )(x1, y1, x2, y2)

    keepf = keepf.reshape(_NP)[:_N]
    keep = keepf > 0.5
    boxes_out = boxes_s * keepf[:, None]
    scores_out = scores_s * keepf
    labels_out = labels_s * keep.astype(labels_s.dtype)
    return (boxes_out, scores_out, labels_out, keep)

# --- scband reference (transcript-rebuilt; emitter-appended) ---
"""Pipeline reference for scband-coco-detector-abc-34995393528390 (READ-ONLY COPY).

The authoritative reference and input builder live on the scoring server;
editing this copy changes nothing except your own understanding.
"""

import jax, jax.numpy as jnp
import numpy as np

N = 20000
IOU_THRESH = 0.5


def setup_inputs(seed: int = 0) -> dict:
    key = jax.random.key(seed)
    k1, k2, k3, k4 = jax.random.split(key, 4)
    # Build valid [x1, y1, x2, y2] boxes (x2 > x1, y2 > y1)
    xy = jax.random.uniform(k1, (N, 2), dtype=jnp.float32, minval=0.0, maxval=512.0)
    wh = jax.random.uniform(k2, (N, 2), dtype=jnp.float32, minval=1.0, maxval=100.0)
    boxes = jnp.concatenate([xy, xy + wh], axis=1)
    scores = jax.random.uniform(k3, (N,), dtype=jnp.float32)
    labels = jax.random.randint(k4, (N,), 0, 91).astype(jnp.int64)
    return {"boxes": boxes, "scores": scores, "labels": labels}


def _nms_keep(boxes_s, iou_thresh):
    # Greedy NMS over score-sorted boxes (same algorithm as torchvision.ops.nms).
    n = boxes_s.shape[0]
    areas = (boxes_s[:, 2] - boxes_s[:, 0]) * (boxes_s[:, 3] - boxes_s[:, 1])
    idx = jnp.arange(n)

    def body(i, keep):
        b = boxes_s[i]
        x1 = jnp.maximum(b[0], boxes_s[:, 0])
        y1 = jnp.maximum(b[1], boxes_s[:, 1])
        x2 = jnp.minimum(b[2], boxes_s[:, 2])
        y2 = jnp.minimum(b[3], boxes_s[:, 3])
        inter = jnp.clip(x2 - x1, 0.0) * jnp.clip(y2 - y1, 0.0)
        area_i = (b[2] - b[0]) * (b[3] - b[1])
        iou = inter / (areas + area_i - inter + 1e-9)
        suppress = (iou > iou_thresh) & (idx > i) & keep[i]
        return keep & (~suppress)

    return jax.lax.fori_loop(0, n, body, jnp.ones((n,), dtype=bool))


def reference(boxes, scores, labels):
    # apply_nms: sort by score desc, greedy-suppress by IoU, filter boxes/scores/labels.
    order = jnp.argsort(-scores)
    boxes_s = boxes[order]
    scores_s = scores[order]
    labels_s = labels[order]
    keep = _nms_keep(boxes_s, IOU_THresh) if False else _nms_keep(boxes_s, IOU_THRESH)
    # Fixed-shape masked outputs (suppressed entries zeroed) to stay jit/shape friendly.
    boxes_out = boxes_s * keep[:, None].astype(boxes_s.dtype)
    scores_out = scores_s * keep.astype(scores_s.dtype)
    labels_out = labels_s * keep.astype(labels_s.dtype)
    return (boxes_out, scores_out, labels_out, keep)

if __name__ == "__main__":
    import jax
    _d = setup_inputs()
    print(jax.jit(kernel)(*tuple(_d.values())))

</pallas_src>

<mosaic_0001>
module attributes {stable_mosaic.version = 14 : i64} {
  func.func @_nms_kernel(%arg0: memref<20x1x1024xf32, #tpu.memory_space<vmem>>, %arg1: memref<20x1x1024xf32, #tpu.memory_space<vmem>>, %arg2: memref<20x1x1024xf32, #tpu.memory_space<vmem>>, %arg3: memref<20x1x1024xf32, #tpu.memory_space<vmem>>, %arg4: memref<20x1x1024xf32, #tpu.memory_space<vmem>>) attributes {dimension_semantics = [], scalar_prefetch = 0 : i64, scratch_operands = 0 : i64, tpu.core_type = #tpu.core_type<tc>} {
    %iota3A = tpu.iota {dimensions = array<i32: 0>} : vector<1024x1024xi32>
    %iota3A_0 = tpu.iota {dimensions = array<i32: 1>} : vector<1024x1024xi32>
    %eq3A = arith.cmpi eq, %iota3A, %iota3A_0 : vector<1024x1024xi32>
    %convert_element_type3A = arith.extui %eq3A : vector<1024x1024xi1> to vector<1024x1024xi32>
    %convert_element_type3A_1 = arith.sitofp %convert_element_type3A : vector<1024x1024xi32> to vector<1024x1024xf32>
    %lt3A = arith.cmpi slt, %iota3A_0, %iota3A : vector<1024x1024xi32>
    %convert_element_type3A_2 = arith.extui %lt3A : vector<1024x1024xi1> to vector<1024x1024xi32>
    %convert_element_type3A_3 = arith.sitofp %convert_element_type3A_2 : vector<1024x1024xi32> to vector<1024x1024xf32>
    %lt3A_4 = arith.cmpi slt, %iota3A, %iota3A_0 : vector<1024x1024xi32>
    %convert_element_type3A_5 = arith.extui %lt3A_4 : vector<1024x1024xi1> to vector<1024x1024xi32>
    %convert_element_type3A_6 = arith.sitofp %convert_element_type3A_5 : vector<1024x1024xi32> to vector<1024x1024xf32>
    %scan3A = arith.constant 0 : i32
    %scan3A_7 = arith.constant 20 : i32
    %scan3A_8 = arith.addi %scan3A, %scan3A_7 : i32
    %scan3A_9 = arith.constant 1 : i32
    scf.for %scan3A_11 = %scan3A to %scan3A_8 step %scan3A_9  : i32 {
      %get3A = arith.index_cast %scan3A_11 : i32 to index
      %get3A_12 = arith.constant 0 : index
      %get3A_13 = arith.constant 0 : index
      %get3A_14 = vector.load %arg0[%get3A, %get3A_12, %get3A_13] : memref<20x1x1024xf32, #tpu.memory_space<vmem>>, vector<1x1x1024xf32>
      %get3A_15 = vector.shape_cast %get3A_14 : vector<1x1x1024xf32> to vector<1x1024xf32>
      %get3A_16 = arith.index_cast %scan3A_11 : i32 to index
      %get3A_17 = arith.constant 0 : index
      %get3A_18 = arith.constant 0 : index
      %get3A_19 = vector.load %arg1[%get3A_16, %get3A_17, %get3A_18] : memref<20x1x1024xf32, #tpu.memory_space<vmem>>, vector<1x1x1024xf32>
      %get3A_20 = vector.shape_cast %get3A_19 : vector<1x1x1024xf32> to vector<1x1024xf32>
      %get3A_21 = arith.index_cast %scan3A_11 : i32 to index
      %get3A_22 = arith.constant 0 : index
      %get3A_23 = arith.constant 0 : index
      %get3A_24 = vector.load %arg2[%get3A_21, %get3A_22, %get3A_23] : memref<20x1x1024xf32, #tpu.memory_space<vmem>>, vector<1x1x1024xf32>
      %get3A_25 = vector.shape_cast %get3A_24 : vector<1x1x1024xf32> to vector<1x1024xf32>
      %get3A_26 = arith.index_cast %scan3A_11 : i32 to index
      %get3A_27 = arith.constant 0 : index
      %get3A_28 = arith.constant 0 : index
      %get3A_29 = vector.load %arg3[%get3A_26, %get3A_27, %get3A_28] : memref<20x1x1024xf32, #tpu.memory_space<vmem>>, vector<1x1x1024xf32>
      %get3A_30 = vector.shape_cast %get3A_29 : vector<1x1x1024xf32> to vector<1x1024xf32>
      %mul3A = vector.broadcast %get3A_15 : vector<1x1024xf32> to vector<1024x1024xf32>
      %mul3A_31 = arith.mulf %convert_element_type3A_1, %mul3A : vector<1024x1024xf32>
      %reduce_sum3A = arith.constant dense<0.000000e+00> : vector<1024xf32>
      %reduce_sum3A_32 = vector.multi_reduction <add>, %mul3A_31, %reduce_sum3A [1] : vector<1024x1024xf32> to vector<1024xf32>
      %broadcast_in_dim3A = vector.shape_cast %reduce_sum3A_32 : vector<1024xf32> to vector<1024x1xf32>
      %mul3A_33 = vector.broadcast %get3A_20 : vector<1x1024xf32> to vector<1024x1024xf32>
      %mul3A_34 = arith.mulf %convert_element_type3A_1, %mul3A_33 : vector<1024x1024xf32>
      %reduce_sum3A_35 = arith.constant dense<0.000000e+00> : vector<1024xf32>
      %reduce_sum3A_36 = vector.multi_reduction <add>, %mul3A_34, %reduce_sum3A_35 [1] : vector<1024x1024xf32> to vector<1024xf32>
      %broadcast_in_dim3A_37 = vector.shape_cast %reduce_sum3A_36 : vector<1024xf32> to vector<1024x1xf32>
      %mul3A_38 = vector.broadcast %get3A_25 : vector<1x1024xf32> to vector<1024x1024xf32>
      %mul3A_39 = arith.mulf %convert_element_type3A_1, %mul3A_38 : vector<1024x1024xf32>
      %reduce_sum3A_40 = arith.constant dense<0.000000e+00> : vector<1024xf32>
      %reduce_sum3A_41 = vector.multi_reduction <add>, %mul3A_39, %reduce_sum3A_40 [1] : vector<1024x1024xf32> to vector<1024xf32>
      %broadcast_in_dim3A_42 = vector.shape_cast %reduce_sum3A_41 : vector<1024xf32> to vector<1024x1xf32>
      %mul3A_43 = vector.broadcast %get3A_30 : vector<1x1024xf32> to vector<1024x1024xf32>
      %mul3A_44 = arith.mulf %convert_element_type3A_1, %mul3A_43 : vector<1024x1024xf32>
      %reduce_sum3A_45 = arith.constant dense<0.000000e+00> : vector<1024xf32>
      %reduce_sum3A_46 = vector.multi_reduction <add>, %mul3A_44, %reduce_sum3A_45 [1] : vector<1024x1024xf32> to vector<1024xf32>
      %broadcast_in_dim3A_47 = vector.shape_cast %reduce_sum3A_46 : vector<1024xf32> to vector<1024x1xf32>
      %sub3A = arith.subf %broadcast_in_dim3A_42, %broadcast_in_dim3A : vector<1024x1xf32>
      %sub3A_48 = arith.subf %broadcast_in_dim3A_47, %broadcast_in_dim3A_37 : vector<1024x1xf32>
      %mul3A_49 = arith.mulf %sub3A, %sub3A_48 : vector<1024x1xf32>
      %broadcast_in_dim3A_50 = arith.constant 0.000000e+00 : f32
      %broadcast_in_dim3A_51 = vector.broadcast %broadcast_in_dim3A_50 : f32 to vector<1024x1xf32>
      %while3A = arith.constant 0 : i32
      %while3A_52 = arith.subi %scan3A_11, %while3A : i32
      %while3A_53 = arith.addi %while3A, %while3A_52 : i32
      %while3A_54 = arith.constant 1 : i32
      %while3A_55 = arith.divsi %while3A_52, %while3A_54 : i32
      %while3A_56 = arith.muli %while3A_55, %while3A_54 : i32
      %while3A_57 = arith.addi %while3A, %while3A_56 : i32
      %while3A_58 = arith.constant 1 : i32
      %while3A_59 = scf.for %while3A_117 = %while3A to %while3A_57 step %while3A_58 iter_args(%while3A_118 = %broadcast_in_dim3A_51) -> (vector<1024x1xf32>)  : i32 {
        %get3A_119 = arith.index_cast %while3A_117 : i32 to index
        %get3A_120 = arith.constant 0 : index
        %get3A_121 = arith.constant 0 : index
        %get3A_122 = vector.load %arg4[%get3A_119, %get3A_120, %get3A_121] : memref<20x1x1024xf32, #tpu.memory_space<vmem>>, vector<1x1x1024xf32>
        %get3A_123 = vector.shape_cast %get3A_122 : vector<1x1x1024xf32> to vector<1x1024xf32>
        %lt3A_124 = arith.constant 5.000000e-01 : f32
        %lt3A_125 = vector.broadcast %lt3A_124 : f32 to vector<1x1024xf32>
        %lt3A_126 = arith.cmpf olt, %get3A_123, %lt3A_125 : vector<1x1024xf32>
        %get3A_127 = arith.index_cast %while3A_117 : i32 to index
        %get3A_128 = arith.constant 0 : index
        %get3A_129 = arith.constant 0 : index
        %get3A_130 = vector.load %arg0[%get3A_127, %get3A_128, %get3A_129] : memref<20x1x1024xf32, #tpu.memory_space<vmem>>, vector<1x1x1024xf32>
        %get3A_131 = vector.shape_cast %get3A_130 : vector<1x1x1024xf32> to vector<1x1024xf32>
        %jit3A_132 = arith.constant 1.000000e+09 : f32
        %broadcast_in_dim3A_133 = vector.broadcast %jit3A_132 : f32 to vector<1x1024xf32>
        %select_n3A_134 = arith.select %lt3A_126, %broadcast_in_dim3A_133, %get3A_131 : vector<1x1024xi1>, vector<1x1024xf32>
        %get3A_135 = arith.index_cast %while3A_117 : i32 to index
        %get3A_136 = arith.constant 0 : index
        %get3A_137 = arith.constant 0 : index
        %get3A_138 = vector.load %arg1[%get3A_135, %get3A_136, %get3A_137] : memref<20x1x1024xf32, #tpu.memory_space<vmem>>, vector<1x1x1024xf32>
        %get3A_139 = vector.shape_cast %get3A_138 : vector<1x1x1024xf32> to vector<1x1024xf32>
        %jit3A_140 = arith.constant 1.000000e+09 : f32
        %broadcast_in_dim3A_141 = vector.broadcast %jit3A_140 : f32 to vector<1x1024xf32>
        %select_n3A_142 = arith.select %lt3A_126, %broadcast_in_dim3A_141, %get3A_139 : vector<1x1024xi1>, vector<1x1024xf32>
        %get3A_143 = arith.index_cast %while3A_117 : i32 to index
        %get3A_144 = arith.constant 0 : index
        %get3A_145 = arith.constant 0 : index
        %get3A_146 = vector.load %arg2[%get3A_143, %get3A_144, %get3A_145] : memref<20x1x1024xf32, #tpu.memory_space<vmem>>, vector<1x1x1024xf32>
        %get3A_147 = vector.shape_cast %get3A_146 : vector<1x1x1024xf32> to vector<1x1024xf32>
        %jit3A_148 = arith.constant 1.000000e+09 : f32
        %broadcast_in_dim3A_149 = vector.broadcast %jit3A_148 : f32 to vector<1x1024xf32>
        %select_n3A_150 = arith.select %lt3A_126, %broadcast_in_dim3A_149, %get3A_147 : vector<1x1024xi1>, vector<1x1024xf32>
        %get3A_151 = arith.index_cast %while3A_117 : i32 to index
        %get3A_152 = arith.constant 0 : index
        %get3A_153 = arith.constant 0 : index
        %get3A_154 = vector.load %arg3[%get3A_151, %get3A_152, %get3A_153] : memref<20x1x1024xf32, #tpu.memory_space<vmem>>, vector<1x1x1024xf32>
        %get3A_155 = vector.shape_cast %get3A_154 : vector<1x1x1024xf32> to vector<1x1024xf32>
        %jit3A_156 = arith.constant 1.000000e+09 : f32
        %broadcast_in_dim3A_157 = vector.broadcast %jit3A_156 : f32 to vector<1x1024xf32>
        %select_n3A_158 = arith.select %lt3A_126, %broadcast_in_dim3A_157, %get3A_155 : vector<1x1024xi1>, vector<1x1024xf32>
        %sub3A_159 = arith.subf %select_n3A_150, %select_n3A_134 : vector<1x1024xf32>
        %sub3A_160 = arith.subf %select_n3A_158, %select_n3A_142 : vector<1x1024xf32>
        %mul3A_161 = arith.mulf %sub3A_159, %sub3A_160 : vector<1x1024xf32>
        %max3A_162 = vector.broadcast %broadcast_in_dim3A : vector<1024x1xf32> to vector<1024x1024xf32>
        %max3A_163 = vector.broadcast %select_n3A_134 : vector<1x1024xf32> to vector<1024x1024xf32>
        %max3A_164 = arith.maximumf %max3A_162, %max3A_163 : vector<1024x1024xf32>
        %max3A_165 = vector.broadcast %broadcast_in_dim3A_37 : vector<1024x1xf32> to vector<1024x1024xf32>
        %max3A_166 = vector.broadcast %select_n3A_142 : vector<1x1024xf32> to vector<1024x1024xf32>
        %max3A_167 = arith.maximumf %max3A_165, %max3A_166 : vector<1024x1024xf32>
        %min3A_168 = vector.broadcast %broadcast_in_dim3A_42 : vector<1024x1xf32> to vector<1024x1024xf32>
        %min3A_169 = vector.broadcast %select_n3A_150 : vector<1x1024xf32> to vector<1024x1024xf32>
        %min3A_170 = arith.minimumf %min3A_168, %min3A_169 : vector<1024x1024xf32>
        %min3A_171 = vector.broadcast %broadcast_in_dim3A_47 : vector<1024x1xf32> to vector<1024x1024xf32>
        %min3A_172 = vector.broadcast %select_n3A_158 : vector<1x1024xf32> to vector<1024x1024xf32>
        %min3A_173 = arith.minimumf %min3A_171, %min3A_172 : vector<1024x1024xf32>
        %sub3A_174 = arith.subf %min3A_170, %max3A_164 : vector<1024x1024xf32>
        %max3A_175 = arith.constant 0.000000e+00 : f32
        %max3A_176 = vector.broadcast %max3A_175 : f32 to vector<1024x1024xf32>
        %max3A_177 = arith.maximumf %sub3A_174, %max3A_176 : vector<1024x1024xf32>
        %sub3A_178 = arith.subf %min3A_173, %max3A_167 : vector<1024x1024xf32>
        %max3A_179 = arith.constant 0.000000e+00 : f32
        %max3A_180 = vector.broadcast %max3A_179 : f32 to vector<1024x1024xf32>
        %max3A_181 = arith.maximumf %sub3A_178, %max3A_180 : vector<1024x1024xf32>
        %mul3A_182 = arith.mulf %max3A_177, %max3A_181 : vector<1024x1024xf32>
        %add3A_183 = vector.broadcast %mul3A_49 : vector<1024x1xf32> to vector<1024x1024xf32>
        %add3A_184 = vector.broadcast %mul3A_161 : vector<1x1024xf32> to vector<1024x1024xf32>
        %add3A_185 = arith.addf %add3A_183, %add3A_184 : vector<1024x1024xf32>
        %sub3A_186 = arith.subf %add3A_185, %mul3A_182 : vector<1024x1024xf32>
        %add3A_187 = arith.constant 9.99999971E-10 : f32
        %add3A_188 = vector.broadcast %add3A_187 : f32 to vector<1024x1024xf32>
        %add3A_189 = arith.addf %sub3A_186, %add3A_188 : vector<1024x1024xf32>
        %div3A_190 = arith.divf %mul3A_182, %add3A_189 : vector<1024x1024xf32>
        %reduce_max3A = arith.constant dense<0xFF800000> : vector<1024xf32>
        %reduce_max3A_191 = vector.multi_reduction <maximumf>, %div3A_190, %reduce_max3A [1] : vector<1024x1024xf32> to vector<1024xf32>
        %broadcast_in_dim3A_192 = vector.shape_cast %reduce_max3A_191 : vector<1024xf32> to vector<1024x1xf32>
        %max3A_193 = arith.maximumf %while3A_118, %broadcast_in_dim3A_192 : vector<1024x1xf32>
        scf.yield %max3A_193 : vector<1024x1xf32>
      }
      %while3A_60 = arith.constant 1 : i32
      %while3A_61 = scf.for %while3A_117 = %while3A_57 to %while3A_53 step %while3A_60 iter_args(%while3A_118 = %while3A_59) -> (vector<1024x1xf32>)  : i32 {
        %get3A_119 = arith.index_cast %while3A_117 : i32 to index
        %get3A_120 = arith.constant 0 : index
        %get3A_121 = arith.constant 0 : index
        %get3A_122 = vector.load %arg4[%get3A_119, %get3A_120, %get3A_121] : memref<20x1x1024xf32, #tpu.memory_space<vmem>>, vector<1x1x1024xf32>
        %get3A_123 = vector.shape_cast %get3A_122 : vector<1x1x1024xf32> to vector<1x1024xf32>
        %lt3A_124 = arith.constant 5.000000e-01 : f32
        %lt3A_125 = vector.broadcast %lt3A_124 : f32 to vector<1x1024xf32>
        %lt3A_126 = arith.cmpf olt, %get3A_123, %lt3A_125 : vector<1x1024xf32>
        %get3A_127 = arith.index_cast %while3A_117 : i32 to index
        %get3A_128 = arith.constant 0 : index
        %get3A_129 = arith.constant 0 : index
        %get3A_130 = vector.load %arg0[%get3A_127, %get3A_128, %get3A_129] : memref<20x1x1024xf32, #tpu.memory_space<vmem>>, vector<1x1x1024xf32>
        %get3A_131 = vector.shape_cast %get3A_130 : vector<1x1x1024xf32> to vector<1x1024xf32>
        %jit3A_132 = arith.constant 1.000000e+09 : f32
        %broadcast_in_dim3A_133 = vector.broadcast %jit3A_132 : f32 to vector<1x1024xf32>
        %select_n3A_134 = arith.select %lt3A_126, %broadcast_in_dim3A_133, %get3A_131 : vector<1x1024xi1>, vector<1x1024xf32>
        %get3A_135 = arith.index_cast %while3A_117 : i32 to index
        %get3A_136 = arith.constant 0 : index
        %get3A_137 = arith.constant 0 : index
        %get3A_138 = vector.load %arg1[%get3A_135, %get3A_136, %get3A_137] : memref<20x1x1024xf32, #tpu.memory_space<vmem>>, vector<1x1x1024xf32>
        %get3A_139 = vector.shape_cast %get3A_138 : vector<1x1x1024xf32> to vector<1x1024xf32>
        %jit3A_140 = arith.constant 1.000000e+09 : f32
        %broadcast_in_dim3A_141 = vector.broadcast %jit3A_140 : f32 to vector<1x1024xf32>
        %select_n3A_142 = arith.select %lt3A_126, %broadcast_in_dim3A_141, %get3A_139 : vector<1x1024xi1>, vector<1x1024xf32>
        %get3A_143 = arith.index_cast %while3A_117 : i32 to index
        %get3A_144 = arith.constant 0 : index
        %get3A_145 = arith.constant 0 : index
        %get3A_146 = vector.load %arg2[%get3A_143, %get3A_144, %get3A_145] : memref<20x1x1024xf32, #tpu.memory_space<vmem>>, vector<1x1x1024xf32>
        %get3A_147 = vector.shape_cast %get3A_146 : vector<1x1x1024xf32> to vector<1x1024xf32>
        %jit3A_148 = arith.constant 1.000000e+09 : f32
        %broadcast_in_dim3A_149 = vector.broadcast %jit3A_148 : f32 to vector<1x1024xf32>
        %select_n3A_150 = arith.select %lt3A_126, %broadcast_in_dim3A_149, %get3A_147 : vector<1x1024xi1>, vector<1x1024xf32>
        %get3A_151 = arith.index_cast %while3A_117 : i32 to index
        %get3A_152 = arith.constant 0 : index
        %get3A_153 = arith.constant 0 : index
        %get3A_154 = vector.load %arg3[%get3A_151, %get3A_152, %get3A_153] : memref<20x1x1024xf32, #tpu.memory_space<vmem>>, vector<1x1x1024xf32>
        %get3A_155 = vector.shape_cast %get3A_154 : vector<1x1x1024xf32> to vector<1x1024xf32>
        %jit3A_156 = arith.constant 1.000000e+09 : f32
        %broadcast_in_dim3A_157 = vector.broadcast %jit3A_156 : f32 to vector<1x1024xf32>
        %select_n3A_158 = arith.select %lt3A_126, %broadcast_in_dim3A_157, %get3A_155 : vector<1x1024xi1>, vector<1x1024xf32>
        %sub3A_159 = arith.subf %select_n3A_150, %select_n3A_134 : vector<1x1024xf32>
        %sub3A_160 = arith.subf %select_n3A_158, %select_n3A_142 : vector<1x1024xf32>
        %mul3A_161 = arith.mulf %sub3A_159, %sub3A_160 : vector<1x1024xf32>
        %max3A_162 = vector.broadcast %broadcast_in_dim3A : vector<1024x1xf32> to vector<1024x1024xf32>
        %max3A_163 = vector.broadcast %select_n3A_134 : vector<1x1024xf32> to vector<1024x1024xf32>
        %max3A_164 = arith.maximumf %max3A_162, %max3A_163 : vector<1024x1024xf32>
        %max3A_165 = vector.broadcast %broadcast_in_dim3A_37 : vector<1024x1xf32> to vector<1024x1024xf32>
        %max3A_166 = vector.broadcast %select_n3A_142 : vector<1x1024xf32> to vector<1024x1024xf32>
        %max3A_167 = arith.maximumf %max3A_165, %max3A_166 : vector<1024x1024xf32>
        %min3A_168 = vector.broadcast %broadcast_in_dim3A_42 : vector<1024x1xf32> to vector<1024x1024xf32>
        %min3A_169 = vector.broadcast %select_n3A_150 : vector<1x1024xf32> to vector<1024x1024xf32>
        %min3A_170 = arith.minimumf %min3A_168, %min3A_169 : vector<1024x1024xf32>
        %min3A_171 = vector.broadcast %broadcast_in_dim3A_47 : vector<1024x1xf32> to vector<1024x1024xf32>
        %min3A_172 = vector.broadcast %select_n3A_158 : vector<1x1024xf32> to vector<1024x1024xf32>
        %min3A_173 = arith.minimumf %min3A_171, %min3A_172 : vector<1024x1024xf32>
        %sub3A_174 = arith.subf %min3A_170, %max3A_164 : vector<1024x1024xf32>
        %max3A_175 = arith.constant 0.000000e+00 : f32
        %max3A_176 = vector.broadcast %max3A_175 : f32 to vector<1024x1024xf32>
        %max3A_177 = arith.maximumf %sub3A_174, %max3A_176 : vector<1024x1024xf32>
        %sub3A_178 = arith.subf %min3A_173, %max3A_167 : vector<1024x1024xf32>
        %max3A_179 = arith.constant 0.000000e+00 : f32
        %max3A_180 = vector.broadcast %max3A_179 : f32 to vector<1024x1024xf32>
        %max3A_181 = arith.maximumf %sub3A_178, %max3A_180 : vector<1024x1024xf32>
        %mul3A_182 = arith.mulf %max3A_177, %max3A_181 : vector<1024x1024xf32>
        %add3A_183 = vector.broadcast %mul3A_49 : vector<1024x1xf32> to vector<1024x1024xf32>
        %add3A_184 = vector.broadcast %mul3A_161 : vector<1x1024xf32> to vector<1024x1024xf32>
        %add3A_185 = arith.addf %add3A_183, %add3A_184 : vector<1024x1024xf32>
        %sub3A_186 = arith.subf %add3A_185, %mul3A_182 : vector<1024x1024xf32>
        %add3A_187 = arith.constant 9.99999971E-10 : f32
        %add3A_188 = vector.broadcast %add3A_187 : f32 to vector<1024x1024xf32>
        %add3A_189 = arith.addf %sub3A_186, %add3A_188 : vector<1024x1024xf32>
        %div3A_190 = arith.divf %mul3A_182, %add3A_189 : vector<1024x1024xf32>
        %reduce_max3A = arith.constant dense<0xFF800000> : vector<1024xf32>
        %reduce_max3A_191 = vector.multi_reduction <maximumf>, %div3A_190, %reduce_max3A [1] : vector<1024x1024xf32> to vector<1024xf32>
        %broadcast_in_dim3A_192 = vector.shape_cast %reduce_max3A_191 : vector<1024xf32> to vector<1024x1xf32>
        %max3A_193 = arith.maximumf %while3A_118, %broadcast_in_dim3A_192 : vector<1024x1xf32>
        scf.yield %max3A_193 : vector<1024x1xf32>
      }
      %gt3A = arith.constant 5.000000e-01 : f32
      %gt3A_62 = vector.broadcast %gt3A : f32 to vector<1024x1xf32>
      %gt3A_63 = arith.cmpf ogt, %while3A_61, %gt3A_62 : vector<1024x1xf32>
      %jit3A = arith.constant 0.000000e+00 : f32
      %jit3A_64 = arith.constant 1.000000e+00 : f32
      %broadcast_in_dim3A_65 = vector.broadcast %jit3A : f32 to vector<1024x1xf32>
      %broadcast_in_dim3A_66 = vector.broadcast %jit3A_64 : f32 to vector<1024x1xf32>
      %select_n3A = arith.select %gt3A_63, %broadcast_in_dim3A_65, %broadcast_in_dim3A_66 : vector<1024x1xi1>, vector<1024x1xf32>
      %mul3A_67 = vector.broadcast %select_n3A : vector<1024x1xf32> to vector<1024x1024xf32>
      %mul3A_68 = arith.mulf %convert_element_type3A_1, %mul3A_67 : vector<1024x1024xf32>
      %reduce_sum3A_69 = arith.constant dense<0.000000e+00> : vector<1024xf32>
      %reduce_sum3A_70 = vector.multi_reduction <add>, %mul3A_68, %reduce_sum3A_69 [0] : vector<1024x1024xf32> to vector<1024xf32>
      %broadcast_in_dim3A_71 = vector.shape_cast %reduce_sum3A_70 : vector<1024xf32> to vector<1x1024xf32>
      %sub3A_72 = arith.subf %get3A_25, %get3A_15 : vector<1x1024xf32>
      %sub3A_73 = arith.subf %get3A_30, %get3A_20 : vector<1x1024xf32>
      %mul3A_74 = arith.mulf %sub3A_72, %sub3A_73 : vector<1x1024xf32>
      %max3A = vector.broadcast %broadcast_in_dim3A : vector<1024x1xf32> to vector<1024x1024xf32>
      %max3A_75 = vector.broadcast %get3A_15 : vector<1x1024xf32> to vector<1024x1024xf32>
      %max3A_76 = arith.maximumf %max3A, %max3A_75 : vector<1024x1024xf32>
      %max3A_77 = vector.broadcast %broadcast_in_dim3A_37 : vector<1024x1xf32> to vector<1024x1024xf32>
      %max3A_78 = vector.broadcast %get3A_20 : vector<1x1024xf32> to vector<1024x1024xf32>
      %max3A_79 = arith.maximumf %max3A_77, %max3A_78 : vector<1024x1024xf32>
      %min3A = vector.broadcast %broadcast_in_dim3A_42 : vector<1024x1xf32> to vector<1024x1024xf32>
      %min3A_80 = vector.broadcast %get3A_25 : vector<1x1024xf32> to vector<1024x1024xf32>
      %min3A_81 = arith.minimumf %min3A, %min3A_80 : vector<1024x1024xf32>
      %min3A_82 = vector.broadcast %broadcast_in_dim3A_47 : vector<1024x1xf32> to vector<1024x1024xf32>
      %min3A_83 = vector.broadcast %get3A_30 : vector<1x1024xf32> to vector<1024x1024xf32>
      %min3A_84 = arith.minimumf %min3A_82, %min3A_83 : vector<1024x1024xf32>
      %sub3A_85 = arith.subf %min3A_81, %max3A_76 : vector<1024x1024xf32>
      %max3A_86 = arith.constant 0.000000e+00 : f32
      %max3A_87 = vector.broadcast %max3A_86 : f32 to vector<1024x1024xf32>
      %max3A_88 = arith.maximumf %sub3A_85, %max3A_87 : vector<1024x1024xf32>
      %sub3A_89 = arith.subf %min3A_84, %max3A_79 : vector<1024x1024xf32>
      %max3A_90 = arith.constant 0.000000e+00 : f32
      %max3A_91 = vector.broadcast %max3A_90 : f32 to vector<1024x1024xf32>
      %max3A_92 = arith.maximumf %sub3A_89, %max3A_91 : vector<1024x1024xf32>
      %mul3A_93 = arith.mulf %max3A_88, %max3A_92 : vector<1024x1024xf32>
      %add3A = vector.broadcast %mul3A_49 : vector<1024x1xf32> to vector<1024x1024xf32>
      %add3A_94 = vector.broadcast %mul3A_74 : vector<1x1024xf32> to vector<1024x1024xf32>
      %add3A_95 = arith.addf %add3A, %add3A_94 : vector<1024x1024xf32>
      %sub3A_96 = arith.subf %add3A_95, %mul3A_93 : vector<1024x1024xf32>
      %add3A_97 = arith.constant 9.99999971E-10 : f32
      %add3A_98 = vector.broadcast %add3A_97 : f32 to vector<1024x1024xf32>
      %add3A_99 = arith.addf %sub3A_96, %add3A_98 : vector<1024x1024xf32>
      %div3A = arith.divf %mul3A_93, %add3A_99 : vector<1024x1024xf32>
      %gt3A_100 = arith.constant 5.000000e-01 : f32
      %gt3A_101 = vector.broadcast %gt3A_100 : f32 to vector<1024x1024xf32>
      %gt3A_102 = arith.cmpf ogt, %div3A, %gt3A_101 : vector<1024x1024xf32>
      %jit3A_103 = arith.constant 1.000000e+00 : f32
      %jit3A_104 = arith.constant 0.000000e+00 : f32
      %broadcast_in_dim3A_105 = vector.broadcast %jit3A_103 : f32 to vector<1024x1024xf32>
      %broadcast_in_dim3A_106 = vector.broadcast %jit3A_104 : f32 to vector<1024x1024xf32>
      %select_n3A_107 = arith.select %gt3A_102, %broadcast_in_dim3A_105, %broadcast_in_dim3A_106 : vector<1024x1024xi1>, vector<1024x1024xf32>
      %mul3A_108 = arith.mulf %select_n3A_107, %convert_element_type3A_3 : vector<1024x1024xf32>
      %mul3A_109 = arith.mulf %select_n3A_107, %convert_element_type3A_6 : vector<1024x1024xf32>
      %while3A_110 = arith.constant true
      %while3A_111:2 = scf.while (%while3A_117 = %broadcast_in_dim3A_71, %while3A_118 = %while3A_110) : (vector<1x1024xf32>, i1) -> (vector<1x1024xf32>, i1) {
        scf.condition(%while3A_118) %while3A_117, %while3A_118 : vector<1x1024xf32>, i1
      } do {
      ^bb0(%while3A_117: vector<1x1024xf32>, %while3A_118: i1):
        %mul3A_119 = vector.broadcast %while3A_117 : vector<1x1024xf32> to vector<1024x1024xf32>
        %mul3A_120 = arith.mulf %mul3A_108, %mul3A_119 : vector<1024x1024xf32>
        %reduce_max3A = arith.constant dense<0xFF800000> : vector<1024xf32>
        %reduce_max3A_121 = vector.multi_reduction <maximumf>, %mul3A_120, %reduce_max3A [1] : vector<1024x1024xf32> to vector<1024xf32>
        %broadcast_in_dim3A_122 = vector.shape_cast %reduce_max3A_121 : vector<1024xf32> to vector<1024x1xf32>
        %sub3A_123 = arith.constant 1.000000e+00 : f32
        %sub3A_124 = vector.broadcast %sub3A_123 : f32 to vector<1024x1xf32>
        %sub3A_125 = arith.subf %sub3A_124, %broadcast_in_dim3A_122 : vector<1024x1xf32>
        %mul3A_126 = arith.mulf %select_n3A, %sub3A_125 : vector<1024x1xf32>
        %mul3A_127 = vector.broadcast %mul3A_126 : vector<1024x1xf32> to vector<1024x1024xf32>
        %mul3A_128 = arith.mulf %mul3A_109, %mul3A_127 : vector<1024x1024xf32>
        %reduce_max3A_129 = arith.constant dense<0xFF800000> : vector<1024xf32>
        %reduce_max3A_130 = vector.multi_reduction <maximumf>, %mul3A_128, %reduce_max3A_129 [0] : vector<1024x1024xf32> to vector<1024xf32>
        %broadcast_in_dim3A_131 = vector.shape_cast %reduce_max3A_130 : vector<1024xf32> to vector<1x1024xf32>
        %sub3A_132 = arith.constant 1.000000e+00 : f32
        %sub3A_133 = vector.broadcast %sub3A_132 : f32 to vector<1x1024xf32>
        %sub3A_134 = arith.subf %sub3A_133, %broadcast_in_dim3A_131 : vector<1x1024xf32>
        %mul3A_135 = arith.mulf %broadcast_in_dim3A_71, %sub3A_134 : vector<1x1024xf32>
        %sub3A_136 = arith.subf %mul3A_135, %while3A_117 : vector<1x1024xf32>
        %abs3A = math.absf %sub3A_136 : vector<1x1024xf32>
        %reduce_sum3A_137 = vector.shape_cast %abs3A : vector<1x1024xf32> to vector<1x1x1024xf32>
        %reduce_sum3A_138 = arith.constant dense<0.000000e+00> : vector<1xf32>
        %reduce_sum3A_139 = vector.multi_reduction <add>, %reduce_sum3A_137, %reduce_sum3A_138 [1, 2] : vector<1x1x1024xf32> to vector<1xf32>
        %reduce_sum3A_140 = vector.shape_cast %reduce_sum3A_139 : vector<1xf32> to vector<1x1x1xf32>
        %reduce_sum3A_141 = vector.extract %reduce_sum3A_140[0, 0, 0] : f32 from vector<1x1x1xf32>
        %gt3A_142 = arith.constant 0.000000e+00 : f32
        %gt3A_143 = arith.cmpf ogt, %reduce_sum3A_141, %gt3A_142 : f32
        scf.yield %mul3A_135, %gt3A_143 : vector<1x1024xf32>, i1
      }
      %swap3A = arith.index_cast %scan3A_11 : i32 to index
      %swap3A_112 = arith.constant 0 : index
      %swap3A_113 = arith.constant 0 : index
      %swap3A_114 = vector.load %arg4[%swap3A, %swap3A_112, %swap3A_113] : memref<20x1x1024xf32, #tpu.memory_space<vmem>>, vector<1x1x1024xf32>
      %swap3A_115 = vector.shape_cast %swap3A_114 : vector<1x1x1024xf32> to vector<1x1024xf32>
      %swap3A_116 = vector.shape_cast %while3A_111#0 : vector<1x1024xf32> to vector<1x1x1024xf32>
      tpu.vector_store %arg4[%swap3A, %swap3A_112, %swap3A_113], %swap3A_116 {strides = array<i32>} : memref<20x1x1024xf32, #tpu.memory_space<vmem>>, vector<1x1x1024xf32>,
    }
    %scan3A_10 = arith.constant 20 : i32
    return
  }
}

</mosaic_0001>

<sc_bundles>
// kernel: gather_offload_async_start.1
scs
__scs_entry_jumppad:
0x0: {  	(pc) =	sbr.rel $0x88, $3  }
0x1: {  	(tag) =	ssettag $0x0;
	lr =	simm.s32 $0x1  }
0x2: {  	[smem:$0x3F9E] =	sst lr;
	_ =	strace $0xD0000000  }
0x3: {  	_ = 	snop  }
0x4: {  	_ = 	snop  }
0x5: {  	_ = 	snop  }
0x6: {  	_ = 	snop  }
0x7: {  	_ = 	snop  }
__scs_overlays_trampoline_lowered:
0x8: {  	[smem:$0x3FAD] =	sst s0  }
0x9: {  	[smem:$0x3FAE] =	sst s1  }
0xa: {  	[smem:$0x3FAF] =	sst s2  }
0xb: {  	[smem:$0x3FB0] =	sst s3  }
0xc: {  	[smem:$0x3FB1] =	sst s4  }
0xd: {  	[smem:$0x3FB2] =	sst s5  }
0xe: {  	[smem:$0x3FB3] =	sst s6  }
0xf: {  	[smem:$0x3FB4] =	sst s7  }
0x10: {  	[smem:$0x3FB5] =	sst s8  }
0x11: {  	[smem:$0x3FB6] =	sst s9;
	s0 =	simm.s32 @!p0 $0x0  }
0x12: {  	s1 =	sld [smem:$0x3F9C];
	s0 =	simm.s32 @p0 $0x1  }
0x13: {  	[smem:$0x3FB7] =	sst s0;
	s0 =	simm.s32 @!p1 $0x0  }
0x14: {  	s2 =	sld [smem:$0x3F9B];
	s0 =	simm.s32 @p1 $0x1  }
0x15: {  	[smem:$0x3FB8] =	sst s0;
	s0 =	simm.s32 @!p2 $0x0  }
0x16: {  	s3 =	sld [smem:$0x3FDB];
	s0 =	simm.s32 @p2 $0x1  }
0x17: {  	s4 =	simm.s32 $0x1BF5;
	[smem:$0x3FBA] =	sst s0  }
0x18: {  	s0 =	sld [smem:$0x3F9D];
	_ =	swait.ge [sflag:s4], $0x0  }
0x19: {  	s7 =	sld [smem:$0x3F9E]  }
0x1a: {  	s8 =	sadd.s32 $0xFFFFE003, lr  }
0x1b: {  	s9 =	sadd.s32 $0xFFFFFEF7, lr;
	s5 =	simm.s32 $0xFFFFFFFF;
	p2 =	slt.u32 s8, $0xFFFFF086  }
0x1c: {  	p1 =	slt.u32 s9, $0xF7A;
	s5 =	simm.s32 @!p2 $0x0  }
0x1d: {  	s5 =	simm.s32 @p1 $0x1;
	p0 =	seq.s32 s7, s2  }
0x1e: {  	s7 =	smul.u32 @!p0 $0xF7A, s2;
	p2 =	seq.s32 @!p0 s5, $0x0  }
0x1f: {  	s9 =	smul.u32 $0xF7A, s1;
	s8 =	simm.s32 @!p0 $0x1BF5;
	p2 =	por !p2, p0  }
0x20: {  	[sflag:s8] =	ssyncset.s32 @!p0 $0xFFFFF086;
	s6 =	sadd.s32 @!p0 s3, s7;
	s7 =	simm.s32 @!p0 $0x108  }
0x21: {  	s3 =	sadd.s32 s3, s9;
	s6 =	sadd.s32 @!p0 $0x88, s6;
	s7 =	simm.s32 @p2 $0x1082  }
0x22: {  	[simem:s7], [sflag:s8] =	dma.local @!p0 [hbm:s6], $0xF7A  }
0x23: {  	s9 =	sor.u32 $0xD0000000, s2;
	s6 =	simm.s32 $0x108;
	_ =	swait.ge @!p0 [sflag:s8], $0x0  }
0x24: {  	s3 =	sadd.s32 $0x88, s3;
	s6 =	simm.s32 @!p1 $0x1082;
	[sflag:s4] =	ssyncset.s32 $0xFFFFF086  }
0x25: {  	[simem:s6], [sflag:s4] =	dma.local [hbm:s3], $0xF7A  }
0x26: {  	[smem:$0x3F9E] =	sst s1;
	(tag) =	ssettag s2;
	_ =	strace s9  }
0x27: {  	s1 =	sld [smem:$0x3FAE]  }
0x28: {  	s2 =	sld [smem:$0x3FAF]  }
0x29: {  	s4 =	sld [smem:$0x3FB1]  }
0x2a: {  	p0 =	seq.s32 s5, $0x0;
	s5 =	sld [smem:$0x3FB2]  }
0x2b: {  	s6 =	sld [smem:$0x3FB3]  }
0x2c: {  	s7 =	sld [smem:$0x3FB4]  }
0x2d: {  	s3 =	simm.s32 $0x108;
	s8 =	sld [smem:$0x3FB5]  }
0x2e: {  	s3 =	simm.s32 @!p0 $0x1082;
	s9 =	sld [smem:$0x3FB6]  }
0x2f: {  	lr =	sadd.s32 s0, s3;
	s0 =	sld [smem:$0x3FAD]  }
0x30: {  	s3 =	sld [smem:$0x3FB0]  }
0x31: {  	[smem:$0x3FB9] =	sst s10  }
0x32: {  	s10 =	sld [smem:$0x3FB7];
	_ =	sdelay $0x3  }
0x33: {  	p0 =	seq.s32 s10, $0x1;
	s10 =	sld [smem:$0x3FB9];
	_ =	sdelay $0x3  }
0x34: {  	[smem:$0x3FB9] =	sst s10  }
0x35: {  	s10 =	sld [smem:$0x3FB8];
	_ =	sdelay $0x3  }
0x36: {  	p1 =	seq.s32 s10, $0x1;
	s10 =	sld [smem:$0x3FB9];
	_ =	sdelay $0x3  }
0x37: {  	[smem:$0x3FB9] =	sst s10  }
0x38: {  	s10 =	sld [smem:$0x3FBA]  }
0x39: {  	_ = 	snop;
	(pc) =	sbr.ind lr, $3  }
0x3a: {  	_ = 	snop  }
0x3b: {  	_ = 	snop  }
0x3c: {  	p2 =	seq.s32 s10, $0x1;
	s10 =	sld [smem:$0x3FB9]  }
0x3d: {  	_ =	shalt  }
0x3e: {  	_ =	shalt  }
0x3f: {  	_ =	shalt  }
0x40: {  	_ =	shalt  }
0x41: {  	_ =	shalt  }
0x42: {  	_ =	shalt  }
0x43: {  	_ =	shalt  }
0x44: {  	_ =	shalt  }
0x45: {  	_ =	shalt  }
0x46: {  	_ =	shalt  }
0x47: {  	_ =	shalt  }
0x48: {  	_ =	shalt  }
0x49: {  	_ =	shalt  }
0x4a: {  	_ =	shalt  }
0x4b: {  	_ =	shalt  }
0x4c: {  	_ =	shalt  }
0x4d: {  	_ =	shalt  }
0x4e: {  	_ =	shalt  }
0x4f: {  	_ =	shalt  }
0x50: {  	_ =	shalt  }
0x51: {  	_ =	shalt  }
0x52: {  	_ =	shalt  }
0x53: {  	_ =	shalt  }
0x54: {  	_ =	shalt  }
0x55: {  	_ =	shalt  }
0x56: {  	_ =	shalt  }
0x57: {  	_ =	shalt  }
0x58: {  	_ =	shalt  }
0x59: {  	_ =	shalt  }
0x5a: {  	_ =	shalt  }
0x5b: {  	_ =	shalt  }
0x5c: {  	_ =	shalt  }
0x5d: {  	_ =	shalt  }
0x5e: {  	_ =	shalt  }
0x5f: {  	_ =	shalt  }
0x60: {  	_ =	shalt  }
0x61: {  	_ =	shalt  }
0x62: {  	_ =	shalt  }
0x63: {  	_ =	shalt  }
0x64: {  	_ =	shalt  }
0x65: {  	_ =	shalt  }
0x66: {  	_ =	shalt  }
0x67: {  	_ =	shalt  }
0x68: {  	_ =	shalt  }
0x69: {  	_ =	shalt  }
0x6a: {  	_ =	shalt  }
0x6b: {  	_ =	shalt  }
0x6c: {  	_ =	shalt  }
0x6d: {  	_ =	shalt  }
0x6e: {  	_ =	shalt  }
0x6f: {  	_ =	shalt  }
0x70: {  	_ =	shalt  }
0x71: {  	_ =	shalt  }
0x72: {  	_ =	shalt  }
0x73: {  	_ =	shalt  }
0x74: {  	_ =	shalt  }
0x75: {  	_ =	shalt  }
0x76: {  	_ =	shalt  }
0x77: {  	_ =	shalt  }
0x78: {  	_ =	shalt  }
0x79: {  	_ =	shalt  }
0x7a: {  	_ =	shalt  }
0x7b: {  	_ =	shalt  }
0x7c: {  	_ =	shalt  }
0x7d: {  	_ =	shalt  }
0x7e: {  	_ =	shalt  }
0x7f: {  	_ =	shalt  }
0x80: {  	_ =	shalt  }
0x81: {  	_ =	shalt  }
0x82: {  	_ =	shalt  }
0x83: {  	_ =	shalt  }
0x84: {  	_ =	shalt  }
0x85: {  	_ =	shalt  }
0x86: {  	_ =	shalt  }
0x87: {  	_ =	shalt  }
.Lfunc_end0:
.L_simem_size_0:
called_computation.1_lowered:
.L_overlay_start_0:
0x88: {  	s2 =	sld [smem:$0x3FD9]  }
0x89: {  	s3 =	sld [smem:$0x3FFE];
	_ =	sdelay $0x1  }
0x8a: {  	s1 =	srdreg.scid  }
0x8b: {  	s0 =	sand.u32 $0x1, s1  }
0x8c: {  	s15 =	sshll.u32 s0, $0xA;
	s2 =	sadd.s32 s3, s2  }
0x8d: {  	s2 =	sadd.s32 s2, s15  }
0x8e: {  	[smem:$0x3FC5] =	sst s2  }
0x8f: {  	_ = 	snop  }
0x90: {  	s2 =	sld [smem:$0x3FD0];
	_ =	sdelay $0x2  }
0x91: {  	s4 =	simm.s32 $0xA;
	s5 =	simm.s32 $0x10;
	s16 =	sld [smem:$0x3FC8]  }
0x92: {  	[smem:s5], [sflag:s4] =	dma.local [hbm:s2], $0x1  }
0x93: {  	_ =	swait.eq [sflag:s4], $0x1  }
0x94: {  	[sflag:s4] =	ssyncset.done $0x0  }
0x95: {  	s17 =	sld [smem:$0x11];
	[sflag:s4] =	ssyncadd.s32 $0xFFFFFFFF  }
0x96: {  	s18 =	sld [smem:$0x12];
	(tm) =	ssettm $0x1  }
0x97: {  	s19 =	sld [smem:$0x3FFB];
	_ =	sdelay $0x3  }
0x98: {  	_ =	strace s19  }
0x99: {  	s5 =	sld [smem:$0x3FFC];
	_ =	sdelay $0x3  }
0x9a: {  	_ =	strace s5  }
0x9b: {  	s5 =	sld [smem:$0x3FFD];
	_ =	sdelay $0x3  }
0x9c: {  	_ =	strace s5  }
0x9d: {  	_ =	strace $0x8FFFFFFF  }
0x9e: {  	s20 =	sld [smem:$0x3FDB];
	_ =	sdelay $0x1  }
0x9f: {  	s6 =	simm.s32 $_scs_section_size  }
0xa0: {  	s7 =	simm.s32 $_size__tile_overlayer_lowered;
	s8 =	simm.s32 $_tile_overlayer_lowered  }
0xa1: {  	s23 =	simm.s32 $0x1BFF;
	s22 =	sshll.u32 s8, $0x1;
	s5 =	sadd.s32 s6, s20  }
0xa2: {  	s9 =	simm.s32 $0x0;
	s21 =	sshll.u32 s7, $0x1;
	s7 =	sadd.s32 s22, s5  }
0xa3: {  	[timem:s9], [sflag:s23] =	dma.local [hbm:s7], s21  }
0xa4: {  	_ =	swait.ge [sflag:s23], s21  }
0xa5: {  	s6 =	ssub.s32 $0x0, s21;
	[sflag:s23] =	ssyncset.done $0x0  }
0xa6: {  	[sflag:s23] =	ssyncadd.s32 s6;
	_ =	sdelay $0x1  }
0xa7: {  	s24 =	simm.s32 $0x1B8B  }
0xa8: {  	_ =	swait.ge [sflag:s24], $0x1  }
0xa9: {  	[sflag:s24] =	ssyncset.done $0x0  }
0xaa: {  	s25 =	simm.s32 $0x1B8E;
	[sflag:s24] =	ssyncadd.s32 $0xFFFFFFFF  }
0xab: {  	s26 =	simm.s32 $execute0_lowered;
	[smem:$0x3FD2] =	sst s25  }
0xac: {  	s6 =	sshll.u32 s26, $0x1;
	_ =	strace $0x80000049;
	[dreg:$0x1] =	wrdreg $0xFFFFFFFF  }
0xad: {  	s28 =	simm.s32 $_size_execute0_lowered;
	s5 =	sadd.s32 s5, s6;
	[dreg:$0x0] =	wrdreg $0x0  }
0xae: {  	s6 =	sshll.u32 s28, $0x1;
	[dreg:$0x2] =	wrdreg s5  }
0xaf: {  	[dreg:$0x3] =	wrdreg s6  }
0xb0: {  	[dreg:$0x4] =	wrdreg $0xC0  }
0xb1: {  	_ =	task [dreg:s9], $0x5FFFF  }
0xb2: {  	[dreg:$0x1] =	wrdreg $0xFFFFFFFF  }
0xb3: {  	[dreg:$0x0] =	wrdreg $0x60  }
0xb4: {  	[dreg:$0x2] =	wrdreg s16  }
0xb5: {  	[dreg:$0x3] =	wrdreg s18  }
0xb6: {  	[dreg:$0x4] =	wrdreg s17  }
0xb7: {  	[dreg:$0x5] =	wrdreg $0x9  }
0xb8: {  	_ =	task.clear_ibuf [dreg:s9], $0x6FFFF;
	_ =	strace $0x90000049  }
0xb9: {  	s29 =	simm.s32 $0x9;
	_ =	strace $0x8000004B  }
0xba: {  	_ =	swait.ge [sflag:s29], $0x1  }
0xbb: {  	[sflag:s29] =	ssyncadd.s32 $0xFFFFFFFF  }
0xbc: {  	_ =	strace $0x9000004B  }
0xbd: {  	_ =	sfence  }
0xbe: {  	s30 =	sld [smem:$0x0];
	_ =	sdelay $0x2  }
0xbf: {  	s31 =	sshll.u32 s1, $0xD;
	s1 =	sshrl.u32 s1, $0x2  }
0xc0: {  	s3 =	sand.u32 $0x4000, s31;
	s1 =	sadd.s32 s1, s30  }
0xc1: {  	s0 =	sor.u32 s3, s0;
	s1 =	sshll.u32 s1, $0x11  }
0xc2: {  	s0 =	sor.u32 s1, s0  }
0xc3: {  	s0 =	sadd.s32 $0x8F2B, s0  }
0xc4: {  	[sflag:s0] =	ssyncadd.remote.s32 $0x1  }
0xc5: {  	_ =	sfence.sel $0xFFFF  }
0xc6: {  	[dreg:$0x0] =	wrdreg $0xFFFFFFFF;
	(pc) =	sbr.abs _section_cstart, $3  }
0xc7: {  	[dreg:$0x1] =	wrdreg $0xFFFFFFFF  }
0xc8: {  	_ =	task.clear_ibuf [dreg:s9], $0x2FFFF;
	_ =	strace $0x9FFFFFFF  }
0xc9: {  	(tm) =	ssettm $0x7FFFFFFF  }
tec
execute0_lowered:
.L_overlay_start_1:
0x0: {  	(tag) =	ssettag $0x1  }
0x1: {  	s2 =	rddreg [dreg:$0x0]  }
0x2: {  	s3 =	rddreg [dreg:$0x1]  }
0x3: {  	s4 =	rddreg [dreg:$0x2];
	s1 =	stileid.u32  }
0x4: {  	s5 =	srdreg.scid;
	s0 =	rddreg [dreg:$0x3]  }
0x5: {  	_ =	strace $0x8000004A;
	s8 =	simm.s32 $0x1;
	s9 =	simm.s32 $0x1  }
0x6: {  	s10 =	simm.s32 $0x3;
	s6 =	sand.u32 $0x1, s5;
	s7 =	sshll.u32 s1, $0x1  }
0x7: {  	s13 =	simm.s32 $0x0;
	s5 =	simm.s32 $0x1;
	s6 =	sor.u32 s7, s6  }
.Ltmp0:
0x8: {  	[sflag:s5] =	ssyncpa.u1 $0x0;
	p0 =	slt.u32 s6, $0x13;
	(pc) =	sbr.rel .LBB2_1-.Ltmp0, $4  }
0x9: {  	s7 =	simm.s32 $0x2;
	s8 =	simm.s32 @!p0 $0x0;
	p0 =	sne.s32 s6, $0x12  }
0xa: {  	[sflag:s7] =	ssyncpa.u1 $0x0;
	s6 =	smul.u32 $0x190, s6;
	s9 =	simm.s32 @!p0 $0x0  }
0xb: {  	s12 =	simm.s32 $0x0;
	[sflag:s10] =	ssyncpa.u1 $0x0;
	s8 =	sadd.s32 s9, s8  }
0xc: {  	vm0 =	vmmov $0xffff;
	s10 =	simm.s32 $0x0;
	s11 =	smov.u32 s6;
	s9 =	sadd.s32 $0x1, s8  }
.LBB2_4:
0xd: {  	v2 =	vnsel vm1, $0x0, v2  }
0xe: {  	vm1 =	vgt.s32 v0, $0x0;
	v2 =	vmin.u32 v2, $0x4E1F  }
0xf: {  	v0 =	vnsel vm1, $0x0, v0  }
0x10: {  	v0 =	vmin.u32 v0, $0x4E1F  }
0x11: {  	[tilespmem:s18], [sflag:$0x1] =	stream.indirect_vreg.gather [hbm4b:s2+s10], $0x1, v1, vm0, $0x4038;
	[tilespmem:$0x640] =	vst v63  }
0x12: {  	(ifvalue) =	ssetifvalue $0x7FFFFFFF  }
0x13: {  	[tilespmem:s15], [sflag:$0x1] =	stream.indirect_vreg.gather [hbm4b:s2+s10], $0x1, v2, vm0, $0x4038;
	[tilespmem:$0x640] =	vst v63  }
0x14: {  	s29 =	sadd.s32 $0x10, s15;
	(ifvalue) =	ssetifvalue $0x7FFFFFFF  }
0x15: {  	[tilespmem:s29], [sflag:$0x1] =	stream.indirect_vreg.gather [hbm4b:s2+s10], $0x1, v0, vm0, $0x4038;
	[tilespmem:$0x640] =	vst v63  }
0x16: {  	_ =	swait.ge [sflag:s5], $0x190  }
0x17: {  	s30 =	sshrl.u32 s13, $0x3;
	[sflag:s5] =	ssyncset.done $0x0  }
0x18: {  	s31 =	sand.u32 $0x7, s13;
	s15 =	sadd.s32 s4, s30;
	[sflag:s5] =	ssyncadd.s32 $0xFFFFFE70  }
0x19: {  	[hbm4b:s15+s31] =	stream.linear.scatter [tilespmem:s14], [sflag:$0x3], $0x190, $0x38;
	[tilespmem:$0x640] =	vst v63  }
.LBB2_5:
0x1a: {  	s15 =	sadd.s32 $0x3200, s11  }
0x1b: {  	p1 =	sgt.s32 s15, $0x4E1F  }
0x1c: {  	s15 =	smov.u32 @p1 s6;
	p1 =	sne.s32 s12, s9  }
.Ltmp1:
0x1d: {  	p0 =	slt.u32 s12, $0x2;
	(pc) =	sbr.rel @!p1 .LBB2_6-.Ltmp1, $4  }
0x1e: {  	s14 =	simm.s32 @!p0 $0x3  }
0x1f: {  	_ =	swait.ge @!p0 [sflag:s14], $0x190  }
0x20: {  	s16 =	sadd.s32 $0x1, s12;
	s13 =	smov.u32 s11;
	[sflag:s14] =	ssyncset.done @!p0 $0x0  }
0x21: {  	s12 =	smov.u32 s16;
	s11 =	smov.u32 s15;
	[sflag:s14] =	ssyncadd.s32 @!p0 $0xFFFFFE70  }
.LBB2_1:
0x22: {  	p0 =	sge.u32 s12, s8  }
0x23: {  	s14 =	sxor.u32 @!p0 $0x1, s12  }
0x24: {  	s14 =	smul.u32 @!p0 $0x640, s14  }
0x25: {  	s31 =	sadd.s32 $0xFFFFFFFF, s12;
	s15 =	sshrl.u32 @!p0 s11, $0x3  }
0x26: {  	s16 =	sand.u32 @!p0 $0x7, s11;
	s15 =	sadd.s32 @!p0 s3, s15;
	s14 =	sshra.s32 @!p0 s14, $0x2  }
0x27: {  	[tilespmem:s14], [sflag:$0x2] =	stream.linear.gather @!p0 [hbm4b:s15+s16], $0x190, $0x38;
	[tilespmem:$0x640] =	vst v63  }
0x28: {  	p0 =	sge.u32 s31, s8  }
.Ltmp2:
0x29: {  	_ = 	snop;
	(pc) =	sbr.rel @p0 .LBB2_5-.Ltmp2, $1  }
0x2a: {  	_ =	sdelay $0x3  }
0x2b: {  	s14 =	sand.u32 $0x1, s12  }
0x2c: {  	_ =	swait.ge [sflag:s7], $0x190;
	p0 =	seq.s32 s14, $0x1;
	s14 =	simm.s32 $0x190  }
0x2d: {  	[sflag:s7] =	ssyncset.done $0x0;
	s14 =	simm.s32 @!p0 $0x0  }
0x2e: {  	[sflag:s7] =	ssyncadd.s32 $0xFFFFFE70;
	(ifvalue) =	ssetifvalue $0x7FFFFFFF;
	v0 =	vld.msk [tilespmem:s14+$0x0 ss:$0x1], $0xffff;
	_ =	sdelay $0x4  }
0x2f: {  	s15 =	sadd.s32 $0x10, s14;
	vm1 =	vgt.s32 v0, $0x0  }
0x30: {  	v2 =	vld.msk [tilespmem:s15+$0x0 ss:$0x1], $0xffff;
	v1 =	vnsel vm1, $0x0, v0  }
0x31: {  	v1 =	vmin.u32 v1, $0x4E1F;
	_ =	sdelay $0x2  }
0x32: {  	s17 =	simm.s32 $0x20;
	s14 =	sadd.s32 $0x320, s14;
	s16 =	sadd.s32 $0x10, s15  }
0x33: {  	s15 =	sadd.s32 $0x10, s14;
	s18 =	smov.u32 s14;
	v0 =	vld.msk [tilespmem:s16+$0x0 ss:$0x1], $0xffff;
	vm1 =	vgt.s32 v2, $0x0;
	(ifvalue) =	ssetifvalue $0x7FFFFFFF  }
.LBB2_3:
0x34: {  	[tilespmem:s18], [sflag:$0x1] =	stream.indirect_vreg.gather [hbm4b:s2+s10], $0x1, v1, vm0, $0x4038;
	[tilespmem:$0x640] =	vst v63  }
0x35: {  	s17 =	sadd.s32 $0x10, s17  }
0x36: {  	v2 =	vnsel vm1, $0x0, v2;
	p0 =	slt.u32 s17, $0x180  }
.Ltmp3:
0x37: {  	s18 =	smov.u32 s15;
	v1 =	vmin.u32 v2, $0x4E1F;
	(pc) =	sbr.rel @p0 .LBB2_3-.Ltmp3, $3  }
0x38: {  	_ =	sdelay $0x1  }
0x39: {  	s16 =	sadd.s32 $0x10, s16  }
0x3a: {  	vm1 =	vgt.s32 v0, $0x0;
	s15 =	sadd.s32 $0x10, s15;
	v2 =	vmov v0;
	(ifvalue) =	ssetifvalue $0x7FFFFFFF;
	v0 =	vld.msk [tilespmem:s16+$0x0 ss:$0x1], $0xffff  }
.Ltmp4:
0x3b: {  	_ = 	snop;
	(pc) =	sbr.rel .LBB2_4-.Ltmp4, $1  }
0x3c: {  	_ =	sdelay $0x3  }
.LBB2_6:
0x3d: {  	_ =	sfence.sel $0x180000  }
0x3e: {  	s2 =	simm.s32 $0x2;
	[bflag:$0x0] =	sbarrier.arrive $0xFFFF  }
0x3f: {  	s30 =	simm.s32 $0x3;
	[sflag:s2] =	ssyncpa.u1 $0x1  }
0x40: {  	s31 =	simm.s32 $0x1;
	[sflag:s30] =	ssyncpa.u1 $0x1  }
0x41: {  	[sflag:s31] =	ssyncpa.u1 $0x1  }
0x42: {  	p0 =	sne.s32 s1, $0x0;
	_ =	strace $0x9000004A  }
0x43: {  	s0 =	sadd.s32 @!p0 $0x100000, s0;
	[bflag:$0x2] =	sbarrier.arrive $0xFFFF  }
0x44: {  	[sflag:s0] =	ssyncadd.tile.s32 @!p0 $0x1;
	_ =	shalt  }
.Lfunc_end2:
_tile_overlayer_lowered:
.L_overlay_start_2:
0x45: {  	(tag) =	ssettag $0x2  }
0x46: {  	s0 =	rddreg [dreg:$0x0];
	s2 =	stileid.u32  }
0x47: {  	s1 =	rddreg [dreg:$0x1];
	p0 =	sne.s32 s2, $0x0  }
0x48: {  	s3 =	rddreg [dreg:$0x2];
	[bflag:$0x3] =	sbarrier.arrive $0xFFFF;
	s2 =	simm.s32 @!p0 $0x1C01  }
0x49: {  	[timem:s3], [sflag:s2] =	dma.local @!p0 [hbm:s0], s1  }
0x4a: {  	s0 =	simm.s32 @!p0 $0x1  }
0x4b: {  	_ =	swait.ge @!p0 [sflag:s0], s1  }
0x4c: {  	s1 =	ssub.s32 @!p0 $0x0, s1;
	[sflag:s0] =	ssyncset.done @!p0 $0x0  }
0x4d: {  	[sflag:s0] =	ssyncadd.s32 @!p0 s1  }
0x4e: {  	[bflag:$0x3] =	sbarrier.arrive $0xFFFF  }
0x4f: {  	_ =	shalt  }

// kernel: gather_offload_async_start.2
scs
__scs_entry_jumppad:
0x0: {  	(pc) =	sbr.rel $0x88, $3  }
0x1: {  	(tag) =	ssettag $0x0;
	lr =	simm.s32 $0x1  }
0x2: {  	[smem:$0x3F9E] =	sst lr;
	_ =	strace $0xD0000000  }
0x3: {  	_ = 	snop  }
0x4: {  	_ = 	snop  }
0x5: {  	_ = 	snop  }
0x6: {  	_ = 	snop  }
0x7: {  	_ = 	snop  }
__scs_overlays_trampoline_lowered:
0x8: {  	[smem:$0x3FAD] =	sst s0  }
0x9: {  	[smem:$0x3FAE] =	sst s1  }
0xa: {  	[smem:$0x3FAF] =	sst s2  }
0xb: {  	[smem:$0x3FB0] =	sst s3  }
0xc: {  	[smem:$0x3FB1] =	sst s4  }
0xd: {  	[smem:$0x3FB2] =	sst s5  }
0xe: {  	[smem:$0x3FB3] =	sst s6  }
0xf: {  	[smem:$0x3FB4] =	sst s7  }
0x10: {  	[smem:$0x3FB5] =	sst s8  }
0x11: {  	[smem:$0x3FB6] =	sst s9;
	s0 =	simm.s32 @!p0 $0x0  }
0x12: {  	s1 =	sld [smem:$0x3F9C];
	s0 =	simm.s32 @p0 $0x1  }
0x13: {  	[smem:$0x3FB7] =	sst s0;
	s0 =	simm.s32 @!p1 $0x0  }
0x14: {  	s2 =	sld [smem:$0x3F9B];
	s0 =	simm.s32 @p1 $0x1  }
0x15: {  	[smem:$0x3FB8] =	sst s0;
	s0 =	simm.s32 @!p2 $0x0  }
0x16: {  	s3 =	sld [smem:$0x3FDB];
	s0 =	simm.s32 @p2 $0x1  }
0x17: {  	s4 =	simm.s32 $0x1BF5;
	[smem:$0x3FBA] =	sst s0  }
0x18: {  	s0 =	sld [smem:$0x3F9D];
	_ =	swait.ge [sflag:s4], $0x0  }
0x19: {  	s7 =	sld [smem:$0x3F9E]  }
0x1a: {  	s8 =	sadd.s32 $0xFFFFE003, lr  }
0x1b: {  	s9 =	sadd.s32 $0xFFFFFEF7, lr;
	s5 =	simm.s32 $0xFFFFFFFF;
	p2 =	slt.u32 s8, $0xFFFFF086  }
0x1c: {  	p1 =	slt.u32 s9, $0xF7A;
	s5 =	simm.s32 @!p2 $0x0  }
0x1d: {  	s5 =	simm.s32 @p1 $0x1;
	p0 =	seq.s32 s7, s2  }
0x1e: {  	s7 =	smul.u32 @!p0 $0xF7A, s2;
	p2 =	seq.s32 @!p0 s5, $0x0  }
0x1f: {  	s9 =	smul.u32 $0xF7A, s1;
	s8 =	simm.s32 @!p0 $0x1BF5;
	p2 =	por !p2, p0  }
0x20: {  	[sflag:s8] =	ssyncset.s32 @!p0 $0xFFFFF086;
	s6 =	sadd.s32 @!p0 s3, s7;
	s7 =	simm.s32 @!p0 $0x108  }
0x21: {  	s3 =	sadd.s32 s3, s9;
	s6 =	sadd.s32 @!p0 $0x88, s6;
	s7 =	simm.s32 @p2 $0x1082  }
0x22: {  	[simem:s7], [sflag:s8] =	dma.local @!p0 [hbm:s6], $0xF7A  }
0x23: {  	s9 =	sor.u32 $0xD0000000, s2;
	s6 =	simm.s32 $0x108;
	_ =	swait.ge @!p0 [sflag:s8], $0x0  }
0x24: {  	s3 =	sadd.s32 $0x88, s3;
	s6 =	simm.s32 @!p1 $0x1082;
	[sflag:s4] =	ssyncset.s32 $0xFFFFF086  }
0x25: {  	[simem:s6], [sflag:s4] =	dma.local [hbm:s3], $0xF7A  }
0x26: {  	[smem:$0x3F9E] =	sst s1;
	(tag) =	ssettag s2;
	_ =	strace s9  }
0x27: {  	s1 =	sld [smem:$0x3FAE]  }
0x28: {  	s2 =	sld [smem:$0x3FAF]  }
0x29: {  	s4 =	sld [smem:$0x3FB1]  }
0x2a: {  	p0 =	seq.s32 s5, $0x0;
	s5 =	sld [smem:$0x3FB2]  }
0x2b: {  	s6 =	sld [smem:$0x3FB3]  }
0x2c: {  	s7 =	sld [smem:$0x3FB4]  }
0x2d: {  	s3 =	simm.s32 $0x108;
	s8 =	sld [smem:$0x3FB5]  }
0x2e: {  	s3 =	simm.s32 @!p0 $0x1082;
	s9 =	sld [smem:$0x3FB6]  }
0x2f: {  	lr =	sadd.s32 s0, s3;
	s0 =	sld [smem:$0x3FAD]  }
0x30: {  	s3 =	sld [smem:$0x3FB0]  }
0x31: {  	[smem:$0x3FB9] =	sst s10  }
0x32: {  	s10 =	sld [smem:$0x3FB7];
	_ =	sdelay $0x3  }
0x33: {  	p0 =	seq.s32 s10, $0x1;
	s10 =	sld [smem:$0x3FB9];
	_ =	sdelay $0x3  }
0x34: {  	[smem:$0x3FB9] =	sst s10  }
0x35: {  	s10 =	sld [smem:$0x3FB8];
	_ =	sdelay $0x3  }
0x36: {  	p1 =	seq.s32 s10, $0x1;
	s10 =	sld [smem:$0x3FB9];
	_ =	sdelay $0x3  }
0x37: {  	[smem:$0x3FB9] =	sst s10  }
0x38: {  	s10 =	sld [smem:$0x3FBA]  }
0x39: {  	_ = 	snop;
	(pc) =	sbr.ind lr, $3  }
0x3a: {  	_ = 	snop  }
0x3b: {  	_ = 	snop  }
0x3c: {  	p2 =	seq.s32 s10, $0x1;
	s10 =	sld [smem:$0x3FB9]  }
0x3d: {  	_ =	shalt  }
0x3e: {  	_ =	shalt  }
0x3f: {  	_ =	shalt  }
0x40: {  	_ =	shalt  }
0x41: {  	_ =	shalt  }
0x42: {  	_ =	shalt  }
0x43: {  	_ =	shalt  }
0x44: {  	_ =	shalt  }
0x45: {  	_ =	shalt  }
0x46: {  	_ =	shalt  }
0x47: {  	_ =	shalt  }
0x48: {  	_ =	shalt  }
0x49: {  	_ =	shalt  }
0x4a: {  	_ =	shalt  }
0x4b: {  	_ =	shalt  }
0x4c: {  	_ =	shalt  }
0x4d: {  	_ =	shalt  }
0x4e: {  	_ =	shalt  }
0x4f: {  	_ =	shalt  }
0x50: {  	_ =	shalt  }
0x51: {  	_ =	shalt  }
0x52: {  	_ =	shalt  }
0x53: {  	_ =	shalt  }
0x54: {  	_ =	shalt  }
0x55: {  	_ =	shalt  }
0x56: {  	_ =	shalt  }
0x57: {  	_ =	shalt  }
0x58: {  	_ =	shalt  }
0x59: {  	_ =	shalt  }
0x5a: {  	_ =	shalt  }
0x5b: {  	_ =	shalt  }
0x5c: {  	_ =	shalt  }
0x5d: {  	_ =	shalt  }
0x5e: {  	_ =	shalt  }
0x5f: {  	_ =	shalt  }
0x60: {  	_ =	shalt  }
0x61: {  	_ =	shalt  }
0x62: {  	_ =	shalt  }
0x63: {  	_ =	shalt  }
0x64: {  	_ =	shalt  }
0x65: {  	_ =	shalt  }
0x66: {  	_ =	shalt  }
0x67: {  	_ =	shalt  }
0x68: {  	_ =	shalt  }
0x69: {  	_ =	shalt  }
0x6a: {  	_ =	shalt  }
0x6b: {  	_ =	shalt  }
0x6c: {  	_ =	shalt  }
0x6d: {  	_ =	shalt  }
0x6e: {  	_ =	shalt  }
0x6f: {  	_ =	shalt  }
0x70: {  	_ =	shalt  }
0x71: {  	_ =	shalt  }
0x72: {  	_ =	shalt  }
0x73: {  	_ =	shalt  }
0x74: {  	_ =	shalt  }
0x75: {  	_ =	shalt  }
0x76: {  	_ =	shalt  }
0x77: {  	_ =	shalt  }
0x78: {  	_ =	shalt  }
0x79: {  	_ =	shalt  }
0x7a: {  	_ =	shalt  }
0x7b: {  	_ =	shalt  }
0x7c: {  	_ =	shalt  }
0x7d: {  	_ =	shalt  }
0x7e: {  	_ =	shalt  }
0x7f: {  	_ =	shalt  }
0x80: {  	_ =	shalt  }
0x81: {  	_ =	shalt  }
0x82: {  	_ =	shalt  }
0x83: {  	_ =	shalt  }
0x84: {  	_ =	shalt  }
0x85: {  	_ =	shalt  }
0x86: {  	_ =	shalt  }
0x87: {  	_ =	shalt  }
.Lfunc_end0:
.L_simem_size_0:
called_computation.2_lowered:
.L_overlay_start_0:
0x88: {  	s2 =	sld [smem:$0x3FD9]  }
0x89: {  	s3 =	sld [smem:$0x3FFE];
	_ =	sdelay $0x1  }
0x8a: {  	s1 =	srdreg.scid  }
0x8b: {  	s0 =	sand.u32 $0x1, s1  }
0x8c: {  	s14 =	sshll.u32 s0, $0xA;
	s2 =	sadd.s32 s3, s2  }
0x8d: {  	s2 =	sadd.s32 s2, s14  }
0x8e: {  	[smem:$0x3FC5] =	sst s2  }
0x8f: {  	_ = 	snop  }
0x90: {  	s2 =	sld [smem:$0x3FD0];
	_ =	sdelay $0x2  }
0x91: {  	s4 =	simm.s32 $0xA;
	s5 =	simm.s32 $0x10;
	s15 =	sld [smem:$0x3FC7]  }
0x92: {  	[smem:s5], [sflag:s4] =	dma.local [hbm:s2], $0x1  }
0x93: {  	_ =	swait.eq [sflag:s4], $0x1  }
0x94: {  	[sflag:s4] =	ssyncset.done $0x0  }
0x95: {  	[sflag:s4] =	ssyncadd.s32 $0xFFFFFFFF  }
0x96: {  	s16 =	sld [smem:$0x12];
	(tm) =	ssettm $0x1  }
0x97: {  	s17 =	sld [smem:$0x3FFB];
	_ =	sdelay $0x3  }
0x98: {  	_ =	strace s17  }
0x99: {  	s4 =	sld [smem:$0x3FFC];
	_ =	sdelay $0x3  }
0x9a: {  	_ =	strace s4  }
0x9b: {  	s4 =	sld [smem:$0x3FFD];
	_ =	sdelay $0x3  }
0x9c: {  	_ =	strace s4  }
0x9d: {  	_ =	strace $0x8FFFFFFF  }
0x9e: {  	s18 =	sld [smem:$0x3FDB];
	_ =	sdelay $0x1  }
0x9f: {  	s19 =	simm.s32 $_scs_section_size  }
0xa0: {  	s6 =	simm.s32 $_size__tile_overlayer_lowered;
	s7 =	simm.s32 $_tile_overlayer_lowered  }
0xa1: {  	s22 =	simm.s32 $0x1BFF;
	s21 =	sshll.u32 s7, $0x1;
	s4 =	sadd.s32 s19, s18  }
0xa2: {  	s8 =	simm.s32 $0x0;
	s20 =	sshll.u32 s6, $0x1;
	s6 =	sadd.s32 s21, s4  }
0xa3: {  	[timem:s8], [sflag:s22] =	dma.local [hbm:s6], s20  }
0xa4: {  	_ =	swait.ge [sflag:s22], s20  }
0xa5: {  	s5 =	ssub.s32 $0x0, s20;
	[sflag:s22] =	ssyncset.done $0x0  }
0xa6: {  	[sflag:s22] =	ssyncadd.s32 s5;
	_ =	sdelay $0x1  }
0xa7: {  	s23 =	simm.s32 $0x1B8B  }
0xa8: {  	_ =	swait.ge [sflag:s23], $0x1  }
0xa9: {  	[sflag:s23] =	ssyncset.done $0x0  }
0xaa: {  	s25 =	simm.s32 $0x1B8E;
	s24 =	sld [smem:$0x3FFE];
	[sflag:s23] =	ssyncadd.s32 $0xFFFFFFFF  }
0xab: {  	s26 =	simm.s32 $execute0_lowered;
	[smem:$0x3FD2] =	sst s25  }
0xac: {  	s6 =	sshll.u32 s26, $0x1;
	_ =	strace $0x8000004C;
	[dreg:$0x1] =	wrdreg $0xFFFFFFFF  }
0xad: {  	s28 =	simm.s32 $_size_execute0_lowered;
	s4 =	sadd.s32 s4, s6;
	[dreg:$0x0] =	wrdreg $0x0  }
0xae: {  	s6 =	sshll.u32 s28, $0x1;
	[dreg:$0x2] =	wrdreg s4  }
0xaf: {  	[dreg:$0x3] =	wrdreg s6  }
0xb0: {  	[dreg:$0x4] =	wrdreg $0xC0  }
0xb1: {  	_ =	task [dreg:s8], $0x5FFFF  }
0xb2: {  	[dreg:$0x1] =	wrdreg $0xFFFFFFFF  }
0xb3: {  	[dreg:$0x0] =	wrdreg $0x60  }
0xb4: {  	[dreg:$0x2] =	wrdreg s15  }
0xb5: {  	[dreg:$0x3] =	wrdreg s16  }
0xb6: {  	[dreg:$0x4] =	wrdreg s24  }
0xb7: {  	[dreg:$0x5] =	wrdreg $0x9  }
0xb8: {  	_ =	task.clear_ibuf [dreg:s8], $0x6FFFF;
	_ =	strace $0x9000004C  }
0xb9: {  	s29 =	simm.s32 $0x9;
	_ =	strace $0x8000004E  }
0xba: {  	_ =	swait.ge [sflag:s29], $0x1  }
0xbb: {  	[sflag:s29] =	ssyncadd.s32 $0xFFFFFFFF  }
0xbc: {  	_ =	strace $0x9000004E  }
0xbd: {  	_ =	sfence  }
0xbe: {  	s30 =	sld [smem:$0x0];
	_ =	sdelay $0x2  }
0xbf: {  	s31 =	sshll.u32 s1, $0xD;
	s1 =	sshrl.u32 s1, $0x2  }
0xc0: {  	s3 =	sand.u32 $0x4000, s31;
	s1 =	sadd.s32 s1, s30  }
0xc1: {  	s0 =	sor.u32 s3, s0;
	s1 =	sshll.u32 s1, $0x11  }
0xc2: {  	s0 =	sor.u32 s1, s0  }
0xc3: {  	s0 =	sadd.s32 $0x8F2B, s0  }
0xc4: {  	[sflag:s0] =	ssyncadd.remote.s32 $0x1  }
0xc5: {  	_ =	sfence.sel $0xFFFF  }
0xc6: {  	[dreg:$0x0] =	wrdreg $0xFFFFFFFF;
	(pc) =	sbr.abs _section_cstart, $3  }
0xc7: {  	[dreg:$0x1] =	wrdreg $0xFFFFFFFF  }
0xc8: {  	_ =	task.clear_ibuf [dreg:s8], $0x2FFFF;
	_ =	strace $0x9FFFFFFF  }
0xc9: {  	(tm) =	ssettm $0x7FFFFFFF  }
tec
execute0_lowered:
.L_overlay_start_1:
0x0: {  	(tag) =	ssettag $0x1  }
0x1: {  	s2 =	rddreg [dreg:$0x0]  }
0x2: {  	s3 =	rddreg [dreg:$0x1]  }
0x3: {  	s4 =	rddreg [dreg:$0x2];
	s1 =	stileid.u32  }
0x4: {  	s5 =	srdreg.scid;
	s0 =	rddreg [dreg:$0x3]  }
0x5: {  	_ =	strace $0x8000004D;
	s8 =	simm.s32 $0x1;
	s9 =	simm.s32 $0x1  }
0x6: {  	s10 =	simm.s32 $0x3;
	s6 =	sand.u32 $0x1, s5;
	s7 =	sshll.u32 s1, $0x1  }
0x7: {  	s13 =	simm.s32 $0x0;
	s5 =	simm.s32 $0x1;
	s6 =	sor.u32 s7, s6  }
.Ltmp0:
0x8: {  	[sflag:s5] =	ssyncpa.u1 $0x0;
	p0 =	slt.u32 s6, $0x13;
	(pc) =	sbr.rel .LBB2_1-.Ltmp0, $4  }
0x9: {  	s7 =	simm.s32 $0x2;
	s8 =	simm.s32 @!p0 $0x0;
	p0 =	sne.s32 s6, $0x12  }
0xa: {  	[sflag:s7] =	ssyncpa.u1 $0x0;
	s6 =	smul.u32 $0x190, s6;
	s9 =	simm.s32 @!p0 $0x0  }
0xb: {  	s12 =	simm.s32 $0x0;
	[sflag:s10] =	ssyncpa.u1 $0x0;
	s8 =	sadd.s32 s9, s8  }
0xc: {  	vm0 =	vmmov $0xffff;
	s10 =	simm.s32 $0x0;
	s11 =	smov.u32 s6;
	s9 =	sadd.s32 $0x1, s8  }
.LBB2_4:
0xd: {  	v2 =	vnsel vm1, $0x0, v2  }
0xe: {  	vm1 =	vgt.s32 v0, $0x0;
	v2 =	vmin.u32 v2, $0x4E1F  }
0xf: {  	v0 =	vnsel vm1, $0x0, v0  }
0x10: {  	v0 =	vmin.u32 v0, $0x4E1F  }
0x11: {  	[tilespmem:s18], [sflag:$0x1] =	stream.indirect_vreg.gather [hbm4b:s2+s10], $0x1, v1, vm0, $0x4038;
	[tilespmem:$0x640] =	vst v63  }
0x12: {  	(ifvalue) =	ssetifvalue $0x7FFFFFFF  }
0x13: {  	[tilespmem:s15], [sflag:$0x1] =	stream.indirect_vreg.gather [hbm4b:s2+s10], $0x1, v2, vm0, $0x4038;
	[tilespmem:$0x640] =	vst v63  }
0x14: {  	s29 =	sadd.s32 $0x10, s15;
	(ifvalue) =	ssetifvalue $0x7FFFFFFF  }
0x15: {  	[tilespmem:s29], [sflag:$0x1] =	stream.indirect_vreg.gather [hbm4b:s2+s10], $0x1, v0, vm0, $0x4038;
	[tilespmem:$0x640] =	vst v63  }
0x16: {  	_ =	swait.ge [sflag:s5], $0x190  }
0x17: {  	s30 =	sshrl.u32 s13, $0x3;
	[sflag:s5] =	ssyncset.done $0x0  }
0x18: {  	s31 =	sand.u32 $0x7, s13;
	s15 =	sadd.s32 s4, s30;
	[sflag:s5] =	ssyncadd.s32 $0xFFFFFE70  }
0x19: {  	[hbm4b:s15+s31] =	stream.linear.scatter [tilespmem:s14], [sflag:$0x3], $0x190, $0x38;
	[tilespmem:$0x640] =	vst v63  }
.LBB2_5:
0x1a: {  	s15 =	sadd.s32 $0x3200, s11  }
0x1b: {  	p1 =	sgt.s32 s15, $0x4E1F  }
0x1c: {  	s15 =	smov.u32 @p1 s6;
	p1 =	sne.s32 s12, s9  }
.Ltmp1:
0x1d: {  	p0 =	slt.u32 s12, $0x2;
	(pc) =	sbr.rel @!p1 .LBB2_6-.Ltmp1, $4  }
0x1e: {  	s14 =	simm.s32 @!p0 $0x3  }
0x1f: {  	_ =	swait.ge @!p0 [sflag:s14], $0x190  }
0x20: {  	s16 =	sadd.s32 $0x1, s12;
	s13 =	smov.u32 s11;
	[sflag:s14] =	ssyncset.done @!p0 $0x0  }
0x21: {  	s12 =	smov.u32 s16;
	s11 =	smov.u32 s15;
	[sflag:s14] =	ssyncadd.s32 @!p0 $0xFFFFFE70  }
.LBB2_1:
0x22: {  	p0 =	sge.u32 s12, s8  }
0x23: {  	s14 =	sxor.u32 @!p0 $0x1, s12  }
0x24: {  	s14 =	smul.u32 @!p0 $0x640, s14  }
0x25: {  	s31 =	sadd.s32 $0xFFFFFFFF, s12;
	s15 =	sshrl.u32 @!p0 s11, $0x3  }
0x26: {  	s16 =	sand.u32 @!p0 $0x7, s11;
	s15 =	sadd.s32 @!p0 s3, s15;
	s14 =	sshra.s32 @!p0 s14, $0x2  }
0x27: {  	[tilespmem:s14], [sflag:$0x2] =	stream.linear.gather @!p0 [hbm4b:s15+s16], $0x190, $0x38;
	[tilespmem:$0x640] =	vst v63  }
0x28: {  	p0 =	sge.u32 s31, s8  }
.Ltmp2:
0x29: {  	_ = 	snop;
	(pc) =	sbr.rel @p0 .LBB2_5-.Ltmp2, $1  }
0x2a: {  	_ =	sdelay $0x3  }
0x2b: {  	s14 =	sand.u32 $0x1, s12  }
0x2c: {  	_ =	swait.ge [sflag:s7], $0x190;
	p0 =	seq.s32 s14, $0x1;
	s14 =	simm.s32 $0x190  }
0x2d: {  	[sflag:s7] =	ssyncset.done $0x0;
	s14 =	simm.s32 @!p0 $0x0  }
0x2e: {  	[sflag:s7] =	ssyncadd.s32 $0xFFFFFE70;
	(ifvalue) =	ssetifvalue $0x7FFFFFFF;
	v0 =	vld.msk [tilespmem:s14+$0x0 ss:$0x1], $0xffff;
	_ =	sdelay $0x4  }
0x2f: {  	s15 =	sadd.s32 $0x10, s14;
	vm1 =	vgt.s32 v0, $0x0  }
0x30: {  	v2 =	vld.msk [tilespmem:s15+$0x0 ss:$0x1], $0xffff;
	v1 =	vnsel vm1, $0x0, v0  }
0x31: {  	v1 =	vmin.u32 v1, $0x4E1F;
	_ =	sdelay $0x2  }
0x32: {  	s17 =	simm.s32 $0x20;
	s14 =	sadd.s32 $0x320, s14;
	s16 =	sadd.s32 $0x10, s15  }
0x33: {  	s15 =	sadd.s32 $0x10, s14;
	s18 =	smov.u32 s14;
	v0 =	vld.msk [tilespmem:s16+$0x0 ss:$0x1], $0xffff;
	vm1 =	vgt.s32 v2, $0x0;
	(ifvalue) =	ssetifvalue $0x7FFFFFFF  }
.LBB2_3:
0x34: {  	[tilespmem:s18], [sflag:$0x1] =	stream.indirect_vreg.gather [hbm4b:s2+s10], $0x1, v1, vm0, $0x4038;
	[tilespmem:$0x640] =	vst v63  }
0x35: {  	s17 =	sadd.s32 $0x10, s17  }
0x36: {  	v2 =	vnsel vm1, $0x0, v2;
	p0 =	slt.u32 s17, $0x180  }
.Ltmp3:
0x37: {  	s18 =	smov.u32 s15;
	v1 =	vmin.u32 v2, $0x4E1F;
	(pc) =	sbr.rel @p0 .LBB2_3-.Ltmp3, $3  }
0x38: {  	_ =	sdelay $0x1  }
0x39: {  	s16 =	sadd.s32 $0x10, s16  }
0x3a: {  	vm1 =	vgt.s32 v0, $0x0;
	s15 =	sadd.s32 $0x10, s15;
	v2 =	vmov v0;
	(ifvalue) =	ssetifvalue $0x7FFFFFFF;
	v0 =	vld.msk [tilespmem:s16+$0x0 ss:$0x1], $0xffff  }
.Ltmp4:
0x3b: {  	_ = 	snop;
	(pc) =	sbr.rel .LBB2_4-.Ltmp4, $1  }
0x3c: {  	_ =	sdelay $0x3  }
.LBB2_6:
0x3d: {  	_ =	sfence.sel $0x180000  }
0x3e: {  	s2 =	simm.s32 $0x2;
	[bflag:$0x0] =	sbarrier.arrive $0xFFFF  }
0x3f: {  	s30 =	simm.s32 $0x3;
	[sflag:s2] =	ssyncpa.u1 $0x1  }
0x40: {  	s31 =	simm.s32 $0x1;
	[sflag:s30] =	ssyncpa.u1 $0x1  }
0x41: {  	[sflag:s31] =	ssyncpa.u1 $0x1  }
0x42: {  	p0 =	sne.s32 s1, $0x0;
	_ =	strace $0x9000004D  }
0x43: {  	s0 =	sadd.s32 @!p0 $0x100000, s0;
	[bflag:$0x2] =	sbarrier.arrive $0xFFFF  }
0x44: {  	[sflag:s0] =	ssyncadd.tile.s32 @!p0 $0x1;
	_ =	shalt  }
.Lfunc_end2:
_tile_overlayer_lowered:
.L_overlay_start_2:
0x45: {  	(tag) =	ssettag $0x2  }
0x46: {  	s0 =	rddreg [dreg:$0x0];
	s2 =	stileid.u32  }
0x47: {  	s1 =	rddreg [dreg:$0x1];
	p0 =	sne.s32 s2, $0x0  }
0x48: {  	s3 =	rddreg [dreg:$0x2];
	[bflag:$0x3] =	sbarrier.arrive $0xFFFF;
	s2 =	simm.s32 @!p0 $0x1C01  }
0x49: {  	[timem:s3], [sflag:s2] =	dma.local @!p0 [hbm:s0], s1  }
0x4a: {  	s0 =	simm.s32 @!p0 $0x1  }
0x4b: {  	_ =	swait.ge @!p0 [sflag:s0], s1  }
0x4c: {  	s1 =	ssub.s32 @!p0 $0x0, s1;
	[sflag:s0] =	ssyncset.done @!p0 $0x0  }
0x4d: {  	[sflag:s0] =	ssyncadd.s32 @!p0 s1  }
0x4e: {  	[bflag:$0x3] =	sbarrier.arrive $0xFFFF  }
0x4f: {  	_ =	shalt  }

// kernel: gather_offload_async_start
scs
__scs_entry_jumppad:
0x0: {  	(pc) =	sbr.rel $0x88, $3  }
0x1: {  	(tag) =	ssettag $0x0;
	lr =	simm.s32 $0x1  }
0x2: {  	[smem:$0x3F9E] =	sst lr;
	_ =	strace $0xD0000000  }
0x3: {  	_ = 	snop  }
0x4: {  	_ = 	snop  }
0x5: {  	_ = 	snop  }
0x6: {  	_ = 	snop  }
0x7: {  	_ = 	snop  }
__scs_overlays_trampoline_lowered:
0x8: {  	[smem:$0x3FAD] =	sst s0  }
0x9: {  	[smem:$0x3FAE] =	sst s1  }
0xa: {  	[smem:$0x3FAF] =	sst s2  }
0xb: {  	[smem:$0x3FB0] =	sst s3  }
0xc: {  	[smem:$0x3FB1] =	sst s4  }
0xd: {  	[smem:$0x3FB2] =	sst s5  }
0xe: {  	[smem:$0x3FB3] =	sst s6  }
0xf: {  	[smem:$0x3FB4] =	sst s7  }
0x10: {  	[smem:$0x3FB5] =	sst s8  }
0x11: {  	[smem:$0x3FB6] =	sst s9;
	s0 =	simm.s32 @!p0 $0x0  }
0x12: {  	s1 =	sld [smem:$0x3F9C];
	s0 =	simm.s32 @p0 $0x1  }
0x13: {  	[smem:$0x3FB7] =	sst s0;
	s0 =	simm.s32 @!p1 $0x0  }
0x14: {  	s2 =	sld [smem:$0x3F9B];
	s0 =	simm.s32 @p1 $0x1  }
0x15: {  	[smem:$0x3FB8] =	sst s0;
	s0 =	simm.s32 @!p2 $0x0  }
0x16: {  	s3 =	sld [smem:$0x3FDB];
	s0 =	simm.s32 @p2 $0x1  }
0x17: {  	s4 =	simm.s32 $0x1BF5;
	[smem:$0x3FBA] =	sst s0  }
0x18: {  	s0 =	sld [smem:$0x3F9D];
	_ =	swait.ge [sflag:s4], $0x0  }
0x19: {  	s7 =	sld [smem:$0x3F9E]  }
0x1a: {  	s8 =	sadd.s32 $0xFFFFE003, lr  }
0x1b: {  	s9 =	sadd.s32 $0xFFFFFEF7, lr;
	s5 =	simm.s32 $0xFFFFFFFF;
	p2 =	slt.u32 s8, $0xFFFFF086  }
0x1c: {  	p1 =	slt.u32 s9, $0xF7A;
	s5 =	simm.s32 @!p2 $0x0  }
0x1d: {  	s5 =	simm.s32 @p1 $0x1;
	p0 =	seq.s32 s7, s2  }
0x1e: {  	s7 =	smul.u32 @!p0 $0xF7A, s2;
	p2 =	seq.s32 @!p0 s5, $0x0  }
0x1f: {  	s9 =	smul.u32 $0xF7A, s1;
	s8 =	simm.s32 @!p0 $0x1BF5;
	p2 =	por !p2, p0  }
0x20: {  	[sflag:s8] =	ssyncset.s32 @!p0 $0xFFFFF086;
	s6 =	sadd.s32 @!p0 s3, s7;
	s7 =	simm.s32 @!p0 $0x108  }
0x21: {  	s3 =	sadd.s32 s3, s9;
	s6 =	sadd.s32 @!p0 $0x88, s6;
	s7 =	simm.s32 @p2 $0x1082  }
0x22: {  	[simem:s7], [sflag:s8] =	dma.local @!p0 [hbm:s6], $0xF7A  }
0x23: {  	s9 =	sor.u32 $0xD0000000, s2;
	s6 =	simm.s32 $0x108;
	_ =	swait.ge @!p0 [sflag:s8], $0x0  }
0x24: {  	s3 =	sadd.s32 $0x88, s3;
	s6 =	simm.s32 @!p1 $0x1082;
	[sflag:s4] =	ssyncset.s32 $0xFFFFF086  }
0x25: {  	[simem:s6], [sflag:s4] =	dma.local [hbm:s3], $0xF7A  }
0x26: {  	[smem:$0x3F9E] =	sst s1;
	(tag) =	ssettag s2;
	_ =	strace s9  }
0x27: {  	s1 =	sld [smem:$0x3FAE]  }
0x28: {  	s2 =	sld [smem:$0x3FAF]  }
0x29: {  	s4 =	sld [smem:$0x3FB1]  }
0x2a: {  	p0 =	seq.s32 s5, $0x0;
	s5 =	sld [smem:$0x3FB2]  }
0x2b: {  	s6 =	sld [smem:$0x3FB3]  }
0x2c: {  	s7 =	sld [smem:$0x3FB4]  }
0x2d: {  	s3 =	simm.s32 $0x108;
	s8 =	sld [smem:$0x3FB5]  }
0x2e: {  	s3 =	simm.s32 @!p0 $0x1082;
	s9 =	sld [smem:$0x3FB6]  }
0x2f: {  	lr =	sadd.s32 s0, s3;
	s0 =	sld [smem:$0x3FAD]  }
0x30: {  	s3 =	sld [smem:$0x3FB0]  }
0x31: {  	[smem:$0x3FB9] =	sst s10  }
0x32: {  	s10 =	sld [smem:$0x3FB7];
	_ =	sdelay $0x3  }
0x33: {  	p0 =	seq.s32 s10, $0x1;
	s10 =	sld [smem:$0x3FB9];
	_ =	sdelay $0x3  }
0x34: {  	[smem:$0x3FB9] =	sst s10  }
0x35: {  	s10 =	sld [smem:$0x3FB8];
	_ =	sdelay $0x3  }
0x36: {  	p1 =	seq.s32 s10, $0x1;
	s10 =	sld [smem:$0x3FB9];
	_ =	sdelay $0x3  }
0x37: {  	[smem:$0x3FB9] =	sst s10  }
0x38: {  	s10 =	sld [smem:$0x3FBA]  }
0x39: {  	_ = 	snop;
	(pc) =	sbr.ind lr, $3  }
0x3a: {  	_ = 	snop  }
0x3b: {  	_ = 	snop  }
0x3c: {  	p2 =	seq.s32 s10, $0x1;
	s10 =	sld [smem:$0x3FB9]  }
0x3d: {  	_ =	shalt  }
0x3e: {  	_ =	shalt  }
0x3f: {  	_ =	shalt  }
0x40: {  	_ =	shalt  }
0x41: {  	_ =	shalt  }
0x42: {  	_ =	shalt  }
0x43: {  	_ =	shalt  }
0x44: {  	_ =	shalt  }
0x45: {  	_ =	shalt  }
0x46: {  	_ =	shalt  }
0x47: {  	_ =	shalt  }
0x48: {  	_ =	shalt  }
0x49: {  	_ =	shalt  }
0x4a: {  	_ =	shalt  }
0x4b: {  	_ =	shalt  }
0x4c: {  	_ =	shalt  }
0x4d: {  	_ =	shalt  }
0x4e: {  	_ =	shalt  }
0x4f: {  	_ =	shalt  }
0x50: {  	_ =	shalt  }
0x51: {  	_ =	shalt  }
0x52: {  	_ =	shalt  }
0x53: {  	_ =	shalt  }
0x54: {  	_ =	shalt  }
0x55: {  	_ =	shalt  }
0x56: {  	_ =	shalt  }
0x57: {  	_ =	shalt  }
0x58: {  	_ =	shalt  }
0x59: {  	_ =	shalt  }
0x5a: {  	_ =	shalt  }
0x5b: {  	_ =	shalt  }
0x5c: {  	_ =	shalt  }
0x5d: {  	_ =	shalt  }
0x5e: {  	_ =	shalt  }
0x5f: {  	_ =	shalt  }
0x60: {  	_ =	shalt  }
0x61: {  	_ =	shalt  }
0x62: {  	_ =	shalt  }
0x63: {  	_ =	shalt  }
0x64: {  	_ =	shalt  }
0x65: {  	_ =	shalt  }
0x66: {  	_ =	shalt  }
0x67: {  	_ =	shalt  }
0x68: {  	_ =	shalt  }
0x69: {  	_ =	shalt  }
0x6a: {  	_ =	shalt  }
0x6b: {  	_ =	shalt  }
0x6c: {  	_ =	shalt  }
0x6d: {  	_ =	shalt  }
0x6e: {  	_ =	shalt  }
0x6f: {  	_ =	shalt  }
0x70: {  	_ =	shalt  }
0x71: {  	_ =	shalt  }
0x72: {  	_ =	shalt  }
0x73: {  	_ =	shalt  }
0x74: {  	_ =	shalt  }
0x75: {  	_ =	shalt  }
0x76: {  	_ =	shalt  }
0x77: {  	_ =	shalt  }
0x78: {  	_ =	shalt  }
0x79: {  	_ =	shalt  }
0x7a: {  	_ =	shalt  }
0x7b: {  	_ =	shalt  }
0x7c: {  	_ =	shalt  }
0x7d: {  	_ =	shalt  }
0x7e: {  	_ =	shalt  }
0x7f: {  	_ =	shalt  }
0x80: {  	_ =	shalt  }
0x81: {  	_ =	shalt  }
0x82: {  	_ =	shalt  }
0x83: {  	_ =	shalt  }
0x84: {  	_ =	shalt  }
0x85: {  	_ =	shalt  }
0x86: {  	_ =	shalt  }
0x87: {  	_ =	shalt  }
.Lfunc_end0:
.L_simem_size_0:
called_computation_lowered:
.L_overlay_start_0:
0x88: {  	s2 =	sld [smem:$0x3FD9]  }
0x89: {  	s3 =	sld [smem:$0x3FFE];
	_ =	sdelay $0x1  }
0x8a: {  	s1 =	srdreg.scid  }
0x8b: {  	s0 =	sand.u32 $0x1, s1  }
0x8c: {  	s14 =	sshll.u32 s0, $0xA;
	s2 =	sadd.s32 s3, s2  }
0x8d: {  	s2 =	sadd.s32 s2, s14  }
0x8e: {  	[smem:$0x3FC5] =	sst s2  }
0x8f: {  	_ = 	snop  }
0x90: {  	s2 =	sld [smem:$0x3FD0];
	_ =	sdelay $0x2  }
0x91: {  	s15 =	simm.s32 $0xA;
	s4 =	simm.s32 $0x10  }
0x92: {  	[smem:s4], [sflag:s15] =	dma.local [hbm:s2], $0x1  }
0x93: {  	_ =	swait.eq [sflag:s15], $0x1  }
0x94: {  	[sflag:s15] =	ssyncset.done $0x0  }
0x95: {  	[sflag:s15] =	ssyncadd.s32 $0xFFFFFFFF  }
0x96: {  	s16 =	sld [smem:$0x12];
	(tm) =	ssettm $0x1  }
0x97: {  	s17 =	sld [smem:$0x3FFB];
	_ =	sdelay $0x3  }
0x98: {  	_ =	strace s17  }
0x99: {  	s3 =	sld [smem:$0x3FFC];
	_ =	sdelay $0x3  }
0x9a: {  	_ =	strace s3  }
0x9b: {  	s3 =	sld [smem:$0x3FFD];
	_ =	sdelay $0x3  }
0x9c: {  	_ =	strace s3  }
0x9d: {  	_ =	strace $0x8FFFFFFF  }
0x9e: {  	s18 =	sld [smem:$0x3FDB];
	_ =	sdelay $0x1  }
0x9f: {  	s19 =	simm.s32 $_scs_section_size  }
0xa0: {  	s5 =	simm.s32 $_size__tile_overlayer_lowered;
	s6 =	simm.s32 $_tile_overlayer_lowered  }
0xa1: {  	s22 =	simm.s32 $0x1BFF;
	s21 =	sshll.u32 s6, $0x1;
	s3 =	sadd.s32 s19, s18  }
0xa2: {  	s7 =	simm.s32 $0x0;
	s20 =	sshll.u32 s5, $0x1;
	s5 =	sadd.s32 s21, s3  }
0xa3: {  	[timem:s7], [sflag:s22] =	dma.local [hbm:s5], s20  }
0xa4: {  	_ =	swait.ge [sflag:s22], s20  }
0xa5: {  	s4 =	ssub.s32 $0x0, s20;
	[sflag:s22] =	ssyncset.done $0x0  }
0xa6: {  	[sflag:s22] =	ssyncadd.s32 s4;
	_ =	sdelay $0x1  }
0xa7: {  	s23 =	simm.s32 $0x1B8B  }
0xa8: {  	_ =	swait.ge [sflag:s23], $0x1  }
0xa9: {  	[sflag:s23] =	ssyncset.done $0x0  }
0xaa: {  	s25 =	simm.s32 $0x1B8E;
	s24 =	sld [smem:$0x3FFE];
	[sflag:s23] =	ssyncadd.s32 $0xFFFFFFFF  }
0xab: {  	s26 =	simm.s32 $execute0_lowered;
	[smem:$0x3FD2] =	sst s25  }
0xac: {  	s5 =	sshll.u32 s26, $0x1;
	_ =	strace $0x80000046;
	[dreg:$0x1] =	wrdreg $0xFFFFFFFF  }
0xad: {  	s28 =	simm.s32 $_size_execute0_lowered;
	s3 =	sadd.s32 s3, s5;
	[dreg:$0x0] =	wrdreg $0x0  }
0xae: {  	s5 =	sshll.u32 s28, $0x1;
	[dreg:$0x2] =	wrdreg s3  }
0xaf: {  	[dreg:$0x3] =	wrdreg s5  }
0xb0: {  	[dreg:$0x4] =	wrdreg $0xC0  }
0xb1: {  	_ =	task [dreg:s7], $0x5FFFF  }
0xb2: {  	[dreg:$0x1] =	wrdreg $0xFFFFFFFF  }
0xb3: {  	[dreg:$0x0] =	wrdreg $0x60  }
0xb4: {  	[dreg:$0x2] =	wrdreg s24  }
0xb5: {  	[dreg:$0x3] =	wrdreg s16  }
0xb6: {  	[dreg:$0x4] =	wrdreg $0x9  }
0xb7: {  	_ =	task.clear_ibuf [dreg:s7], $0x5FFFF;
	_ =	strace $0x90000046  }
0xb8: {  	s29 =	simm.s32 $0x9;
	_ =	strace $0x80000048  }
0xb9: {  	_ =	swait.ge [sflag:s29], $0x1  }
0xba: {  	[sflag:s29] =	ssyncadd.s32 $0xFFFFFFFF  }
0xbb: {  	_ =	strace $0x90000048  }
0xbc: {  	_ =	sfence  }
0xbd: {  	s30 =	sld [smem:$0x0];
	_ =	sdelay $0x2  }
0xbe: {  	s31 =	sshll.u32 s1, $0xD;
	s1 =	sshrl.u32 s1, $0x2  }
0xbf: {  	s3 =	sand.u32 $0x4000, s31;
	s1 =	sadd.s32 s1, s30  }
0xc0: {  	s0 =	sor.u32 s3, s0;
	s1 =	sshll.u32 s1, $0x11  }
0xc1: {  	s0 =	sor.u32 s1, s0  }
0xc2: {  	s0 =	sadd.s32 $0x8F2B, s0  }
0xc3: {  	[sflag:s0] =	ssyncadd.remote.s32 $0x1  }
0xc4: {  	_ =	sfence.sel $0xFFFF  }
0xc5: {  	[dreg:$0x0] =	wrdreg $0xFFFFFFFF;
	(pc) =	sbr.abs _section_cstart, $3  }
0xc6: {  	[dreg:$0x1] =	wrdreg $0xFFFFFFFF  }
0xc7: {  	_ =	task.clear_ibuf [dreg:s7], $0x2FFFF;
	_ =	strace $0x9FFFFFFF  }
0xc8: {  	(tm) =	ssettm $0x7FFFFFFF  }
0xc9: {  	_ =	shalt  }
tec
execute0_lowered:
.L_overlay_start_1:
0x0: {  	(tag) =	ssettag $0x1  }
0x1: {  	s0 =	srdreg.scid  }
0x2: {  	s1 =	sshll.u32 s0, $0x4  }
0x3: {  	s0 =	stileid.u32;
	s1 =	sand.u32 $0x10, s1  }
0x4: {  	s2 =	sor.u32 s0, s1  }
0x5: {  	s1 =	smin.u32 s2, $0x12  }
0x6: {  	s1 =	sadd.s32 s2, s1  }
0x7: {  	p0 =	slt.u32 s2, $0x12;
	s2 =	simm.s32 $0x320;
	s1 =	smul.u32 $0x190, s1  }
0x8: {  	s2 =	simm.s32 @!p0 $0x190  }
0x9: {  	s2 =	sadd.s32 s2, s1  }
0xa: {  	s3 =	smin.u32 s2, $0x4E20  }
0xb: {  	s7 =	ssub.s32 s3, s1  }
0xc: {  	p0 =	sgt.s32 s7, $0x0  }
0xd: {  	s7 =	simm.s32 @!p0 $0x0  }
0xe: {  	s31 =	sand.u32 $0xFFF0, s7  }
0xf: {  	s2 =	sshrl.u32 s31, $0x4  }
0x10: {  	s4 =	rddreg [dreg:$0x0];
	s2 =	smul.u32 $0xA3E, s2  }
0x11: {  	s5 =	rddreg [dreg:$0x1]  }
0x12: {  	s6 =	simm.s32 $0x1;
	s10 =	simm.s32 $0x3;
	s8 =	sshrl.u32 s2, $0x10  }
0x13: {  	s13 =	simm.s32 $0x0;
	s12 =	simm.s32 $0x0;
	s9 =	smul.u32 $0x190, s8  }
.Ltmp0:
0x14: {  	s11 =	smov.u32 s1;
	s2 =	rddreg [dreg:$0x2];
	(pc) =	sbr.rel .LBB2_1-.Ltmp0, $4  }
0x15: {  	_ =	strace $0x80000047;
	p0 =	sne.s32 s7, s9;
	s9 =	simm.s32 $0x1  }
0x16: {  	[sflag:s6] =	ssyncpa.u1 $0x0;
	s7 =	simm.s32 $0x2;
	s9 =	simm.s32 @!p0 $0x0  }
0x17: {  	[sflag:s7] =	ssyncpa.u1 $0x0;
	p0 =	por $0x0, $0x0;
	s8 =	sadd.s32 s8, s9  }
0x18: {  	vm0 =	vmmov $0xff;
	vm1 =	vcmask $0x3F20;
	s9 =	sadd.s32 $0x4E200, s4;
	[sflag:s10] =	ssyncpa.u1 $0x0;
	s10 =	sadd.s32 $0x1, s8  }
.LBB2_6:
0x19: {  	[hbm:s17] =	stream.linear.scatter [tilespmem:s14], [sflag:$0x3], $0x400, $0x38;
	[tilespmem:$0x19320] =	vst v63  }
.LBB2_7:
0x1a: {  	s13 =	sadd.s32 $0x190, s11  }
0x1b: {  	s15 =	smov.u32 s1;
	p2 =	slt.s32 s13, s3  }
0x1c: {  	s15 =	smov.u32 @p2 s13;
	p2 =	sne.s32 s12, s10  }
.Ltmp1:
0x1d: {  	p1 =	slt.u32 s12, $0x2;
	(pc) =	sbr.rel @!p2 .LBB2_8-.Ltmp1, $4  }
0x1e: {  	s14 =	simm.s32 @!p1 $0x3  }
0x1f: {  	s16 =	sadd.s32 $0x1, s12;
	_ =	swait.ge @!p1 [sflag:s14], $0xC800  }
0x20: {  	p0 =	por !p0, !p0;
	s13 =	smov.u32 s11;
	[sflag:s14] =	ssyncset.done @!p1 $0x0  }
0x21: {  	s12 =	smov.u32 s16;
	s11 =	smov.u32 s15;
	[sflag:s14] =	ssyncadd.s32 @!p1 $0xFFFF3800  }
.LBB2_1:
0x22: {  	p1 =	sge.u32 s12, s8  }
0x23: {  	s14 =	sxor.u32 @!p1 $0xFFFFFFFF, s12  }
0x24: {  	s14 =	sand.u32 @!p1 $0x1, s14  }
0x25: {  	s14 =	smul.u32 @!p1 $0x640, s14  }
0x26: {  	s31 =	sadd.s32 $0xFFFFFFFF, s12;
	s15 =	sshrl.u32 @!p1 s11, $0x3  }
0x27: {  	s16 =	sand.u32 @!p1 $0x7, s11;
	s15 =	sadd.s32 @!p1 s5, s15;
	s14 =	sshrl.u32 @!p1 s14, $0x2  }
0x28: {  	[tilespmem:s14], [sflag:$0x2] =	stream.linear.gather @!p1 [hbm4b:s15+s16], $0x190, $0x38;
	[tilespmem:$0x19320] =	vst v63  }
0x29: {  	p1 =	sge.u32 s31, s8  }
.Ltmp2:
0x2a: {  	_ = 	snop;
	(pc) =	sbr.rel @p1 .LBB2_7-.Ltmp2, $1  }
0x2b: {  	_ =	sdelay $0x3  }
0x2c: {  	s14 =	simm.s32 $0x1  }
0x2d: {  	s14 =	simm.s32 @!p0 $0x0  }
0x2e: {  	s15 =	smul.u32 $0x640, s14  }
0x2f: {  	_ =	swait.ge [sflag:s7], $0x190  }
0x30: {  	[sflag:s7] =	ssyncset.done $0x0;
	s16 =	sshrl.u32 s15, $0x2  }
0x31: {  	[sflag:s7] =	ssyncadd.s32 $0xFFFFFE70;
	s15 =	sadd.s32 $0x0, s16  }
0x32: {  	v0 =	vld.msk [tilespmem:s15+$0x0 ss:$0x1], $0xffff;
	_ =	sdelay $0x4  }
0x33: {  	vm2 =	vgt.s32 v0, $0x0  }
0x34: {  	v0 =	vnsel vm2, $0x0, v0  }
0x35: {  	v0 =	vmin.u32 v0, $0x4E1F  }
0x36: {  	v0 =	vshll.u32 v0, $0x4  }
0x37: {  	s14 =	smul.u32 $0x32000, s14;
	_ =	sdelay $0x1  }
0x38: {  	s14 =	sshrl.u32 s14, $0x2  }
0x39: {  	s14 =	sor.u32 $0x320, s14  }
0x3a: {  	[tilespmem:s14], [sflag:$0x1] =	stream.indirect_vreg.gather [hbm:s4], $0x80, v0, vm0, $0x38;
	[tilespmem:$0x19320] =	vst v63  }
0x3b: {  	s17 =	sadd.s32 $0x10, s16;
	s15 =	sadd.s32 $0x400, s14  }
0x3c: {  	[tilespmem:s15], [sflag:$0x1] =	stream.indirect_vreg.gather [hbm:s4], $0x80, v0, vm1, $0x38;
	[tilespmem:$0x19320] =	vst v63  }
0x3d: {  	s18 =	simm.s32 $0x80;
	v0 =	vld.msk [tilespmem:s17+$0x0 ss:$0x1], $0xffff;
	s17 =	smov.u32 s14  }
.LBB2_3:
0x3e: {  	p1 =	sne.s32 s18, $0x600;
	_ =	sdelay $0x4  }
0x3f: {  	vm2 =	vgt.s32 v0, $0x0  }
0x40: {  	v0 =	vnsel vm2, $0x0, v0  }
0x41: {  	v0 =	vmin.u32 v0, $0x4E1F  }
0x42: {  	v0 =	vshll.u32 v0, $0x4;
	_ =	sdelay $0x3  }
.Ltmp3:
0x43: {  	s19 =	sshra.s32 s18, $0x2;
	s17 =	sadd.s32 $0x800, s17;
	(pc) =	sbr.rel @p1 .LBB2_3-.Ltmp3, $4  }
0x44: {  	[tilespmem:s17], [sflag:$0x1] =	stream.indirect_vreg.gather [hbm:s4], $0x80, v0, vm0, $0x38;
	[tilespmem:$0x19320] =	vst v63  }
0x45: {  	s19 =	sadd.s32 s19, s16;
	s20 =	sadd.s32 $0x400, s17  }
0x46: {  	[tilespmem:s20], [sflag:$0x1] =	stream.indirect_vreg.gather [hbm:s4], $0x80, v0, vm1, $0x38;
	[tilespmem:$0x19320] =	vst v63  }
0x47: {  	s18 =	sadd.s32 $0x40, s18;
	v0 =	vld.msk [tilespmem:s19+$0x0 ss:$0x1], $0xffff  }
0x48: {  	_ =	sdelay $0x3  }
0x49: {  	vm2 =	vgt.s32 v0, $0x0  }
0x4a: {  	v0 =	vnsel vm2, $0x0, v0  }
0x4b: {  	v0 =	vmin.u32 v0, $0x4E1F  }
0x4c: {  	v0 =	vshll.u32 v0, $0x4;
	_ =	sdelay $0x3  }
0x4d: {  	s16 =	sadd.s32 $0x800, s17  }
0x4e: {  	[tilespmem:s16], [sflag:$0x1] =	stream.indirect_vreg.gather [hbm:s4], $0x80, v0, vm0, $0x38;
	[tilespmem:$0x19320] =	vst v63  }
0x4f: {  	s16 =	sadd.s32 $0x400, s16  }
0x50: {  	[tilespmem:s16], [sflag:$0x1] =	stream.indirect_vreg.gather [hbm:s4], $0x80, v0, vm1, $0x38;
	[tilespmem:$0x19320] =	vst v63  }
0x51: {  	s13 =	sshll.u32 s13, $0x4;
	_ =	swait.ge [sflag:s6], $0xC800  }
0x52: {  	s13 =	sadd.s32 s13, s9;
	[sflag:s6] =	ssyncset.done $0x0  }
0x53: {  	s17 =	sadd.s32 $0x0, s13;
	s16 =	simm.s32 $0x80;
	[sflag:s6] =	ssyncadd.s32 $0xFFFF3800  }
.LBB2_5:
0x54: {  	[hbm:s17] =	stream.linear.scatter [tilespmem:s14], [sflag:$0x3], $0x400, $0x38;
	[tilespmem:$0x19320] =	vst v63  }
0x55: {  	s17 =	smov.u32 s16;
	s14 =	smov.u32 s15;
	p1 =	sne.s32 s16, $0x1880  }
.Ltmp4:
0x56: {  	s16 =	sadd.s32 $0x80, s16;
	(pc) =	sbr.rel @p1 .LBB2_5-.Ltmp4, $2  }
0x57: {  	_ =	sdelay $0x2  }
0x58: {  	s15 =	sadd.s32 $0x400, s15;
	s17 =	sadd.s32 s17, s13  }
.Ltmp5:
0x59: {  	_ = 	snop;
	(pc) =	sbr.rel .LBB2_6-.Ltmp5, $1  }
0x5a: {  	_ =	sdelay $0x3  }
.LBB2_8:
0x5b: {  	_ =	sfence.sel $0x180000  }
0x5c: {  	s1 =	simm.s32 $0x2;
	[bflag:$0x0] =	sbarrier.arrive $0xFFFF  }
0x5d: {  	s30 =	simm.s32 $0x3;
	[sflag:s1] =	ssyncpa.u1 $0x1  }
0x5e: {  	s31 =	simm.s32 $0x1;
	[sflag:s30] =	ssyncpa.u1 $0x1  }
0x5f: {  	[sflag:s31] =	ssyncpa.u1 $0x1  }
0x60: {  	p0 =	sne.s32 s0, $0x0;
	_ =	strace $0x90000047  }
0x61: {  	s0 =	sadd.s32 @!p0 $0x100000, s2;
	[bflag:$0x2] =	sbarrier.arrive $0xFFFF  }
0x62: {  	[sflag:s0] =	ssyncadd.tile.s32 @!p0 $0x1;
	_ =	shalt  }
.Lfunc_end2:
_tile_overlayer_lowered:
.L_overlay_start_2:
0x63: {  	(tag) =	ssettag $0x2  }
0x64: {  	s0 =	rddreg [dreg:$0x0];
	s2 =	stileid.u32  }
0x65: {  	s1 =	rddreg [dreg:$0x1];
	p0 =	sne.s32 s2, $0x0  }
0x66: {  	s3 =	rddreg [dreg:$0x2];
	[bflag:$0x3] =	sbarrier.arrive $0xFFFF;
	s2 =	simm.s32 @!p0 $0x1C01  }
0x67: {  	[timem:s3], [sflag:s2] =	dma.local @!p0 [hbm:s0], s1  }
0x68: {  	s0 =	simm.s32 @!p0 $0x1  }
0x69: {  	_ =	swait.ge @!p0 [sflag:s0], s1  }
0x6a: {  	s1 =	ssub.s32 @!p0 $0x0, s1;
	[sflag:s0] =	ssyncset.done @!p0 $0x0  }
0x6b: {  	[sflag:s0] =	ssyncadd.s32 @!p0 s1  }
0x6c: {  	[bflag:$0x3] =	sbarrier.arrive $0xFFFF  }
0x6d: {  	_ =	shalt  }

</sc_bundles>
